<compile_context>
chip_gen: v7x
topology: tpu7x:2x2x1
jax: 0.10.2.dev20260603
libtpu: 0.0.44.dev20260713+nightly
codegen_flags: <defaults>
</compile_context>

<pallas_src>
import functools

import jax
import jax.numpy as jnp
from jax import lax
from jax.experimental import pallas as pl
from jax.experimental.pallas import tpu as pltpu
from jax.experimental.pallas import tpu_sc as plsc

_LOG1P_C = (
    0.999620375345516,
    -0.4866430640453268,
    0.2546222068470691,
    -0.074736147661803,
)

_CHUNK = 128
_NBUF = 4


def _softplus16(x):
    neg_abs = lax.bitcast_convert_type(
        lax.bitcast_convert_type(x, jnp.int32) | jnp.int32(-2147483648),
        jnp.float32,
    )
    z = jnp.exp(neg_abs)
    q = jnp.float32(_LOG1P_C[-1])
    for c in _LOG1P_C[-2::-1]:
        q = q * z + jnp.float32(c)
    return jnp.maximum(x, jnp.float32(0.0)) + z * q


def _make_sc_kernel(n_rows, d, nw, nc):
    per_w = n_rows // nw
    g_per_w = per_w // _CHUNK
    mesh = plsc.VectorSubcoreMesh(core_axis_name="c", subcore_axis_name="s")

    @functools.partial(
        pl.kernel,
        out_type=jax.ShapeDtypeStruct((n_rows, d), jnp.float32),
        mesh=mesh,
        compiler_params=pltpu.CompilerParams(use_tc_tiling_on_sc=False),
        scratch_types=[
            pltpu.VMEM((g_per_w, _CHUNK), jnp.int32),
            pltpu.VMEM((_NBUF, _CHUNK, d), jnp.float32),
            pltpu.SemaphoreType.DMA,
            pltpu.SemaphoreType.DMA,
        ],
    )
    def sc_kernel(idx_hbm, table_hbm, out_hbm, idx_v, rows_v, gsem, osem):
        wid = lax.axis_index("s") * nc + lax.axis_index("c")
        base = wid * per_w
        pltpu.sync_copy(idx_hbm.at[wid], idx_v)

        def group(it, carry):
            g0 = it * _NBUF
            gathers = []
            for b in range(_NBUF):
                gathers.append(
                    pltpu.async_copy(
                        table_hbm.at[idx_v.at[g0 + b]], rows_v.at[b], gsem
                    )
                )
            outs = []
            for b in range(_NBUF):
                gathers[b].wait()

                def row_body(i, _, b=b):
                    for j in range(d // 16):
                        sl = pl.ds(j * 16, 16)
                        rows_v[b, i, sl] = _softplus16(rows_v[b, i, sl])
                    return 0

                lax.fori_loop(0, _CHUNK, row_body, 0)
                outs.append(
                    pltpu.async_copy(
                        rows_v.at[b],
                        out_hbm.at[pl.ds(base + (g0 + b) * _CHUNK, _CHUNK)],
                        osem,
                    )
                )
            for oc in outs:
                oc.wait()
            return carry

        lax.fori_loop(0, g_per_w // _NBUF, group, 0)

    return sc_kernel


def kernel(word, emb_weight):
    b, l = word.shape
    v, d = emb_weight.shape
    n = b * l
    info = plsc.get_sparse_core_info()
    nc, ns = info.num_cores, info.num_subcores
    nw = nc * ns
    assert n % (nw * _CHUNK * _NBUF) == 0 and d % 16 == 0
    idx = word.reshape(nw, n // (nw * _CHUNK), _CHUNK).astype(jnp.int32)
    out = _make_sc_kernel(n, d, nw, nc)(idx, emb_weight)
    return out.reshape(b, l, d)

# --- scband reference (transcript-rebuilt; emitter-appended) ---
"""Pipeline reference for scband-prior-sigma-27023934226449 (READ-ONLY COPY).

The authoritative reference and input builder live on the scoring server;
editing this copy changes nothing except your own understanding.
"""

import jax, jax.numpy as jnp
import numpy as np

VOCAB_SIZE = 1000000
EMBED_SIZE = 64

def setup_inputs(seed: int = 0) -> dict:
    key = jax.random.key(seed)
    k1, k2 = jax.random.split(key)
    word = jax.random.randint(k1, (16384, 50), 0, VOCAB_SIZE, dtype=jnp.int64 if jax.config.jax_enable_x64 else jnp.int32)
    emb_weight = jax.random.normal(k2, (VOCAB_SIZE, EMBED_SIZE), dtype=jnp.float32)
    return {"word": word, "emb_weight": emb_weight}

def reference(word, emb_weight):
    # nn.Embedding lookup: gather rows of the table
    gathered = jnp.take(emb_weight, word, axis=0)  # [B, L, D]
    # Softplus(x) = log(1 + exp(x)), numerically stable via jax.nn.softplus
    return jax.nn.softplus(gathered)

if __name__ == "__main__":
    import jax
    _d = setup_inputs()
    print(jax.jit(kernel)(*tuple(_d.values())))

</pallas_src>

<mosaic_0001>
#map = affine_map<(d0, d1) -> (0, 0, 0)>
#map1 = affine_map<(d0, d1) -> (0, 0)>
module attributes {stable_mosaic.version = 14 : i64} {
  func.func @sc_kernel(%arg0: i32, %arg1: i32, %arg2: memref<32x200x128xi32, #tpu.memory_space<hbm>>, %arg3: memref<1000000x64xf32, #tpu.memory_space<hbm>>, %arg4: memref<819200x64xf32, #tpu.memory_space<hbm>>, %arg5: memref<200x128xi32, #tpu.memory_space<vmem>>, %arg6: memref<4x128x64xf32, #tpu.memory_space<vmem>>, %arg7: memref<!tpu.dma_semaphore, #tpu.memory_space<semaphore_mem>>, %arg8: memref<!tpu.dma_semaphore, #tpu.memory_space<semaphore_mem>>) attributes {dimension_semantics = [#tpu.dimension_semantics<core_parallel>, #tpu.dimension_semantics<subcore_parallel>], iteration_bounds = array<i64: 2, 16>, scalar_prefetch = 0 : i64, scratch_operands = 4 : i64, tpu.core_type = #tpu.core_type<sc_vector_subcore>, window_params = [{transform_indices = #map}, {transform_indices = #map1}, {transform_indices = #map1}]} {
    %mul3A = arith.constant 2 : i32
    %mul3A_0 = arith.muli %arg1, %mul3A : i32
    %add3A = arith.addi %mul3A_0, %arg0 : i32
    %mul3A_1 = arith.constant 25600 : i32
    %mul3A_2 = arith.muli %add3A, %mul3A_1 : i32
    "tpu.region"() ({
      %run_scoped3A = tpu.sem_alloc : memref<!tpu.dma_semaphore, #tpu.memory_space<semaphore_mem>>
      %dma_start3A = arith.constant 0 : i32
      %dma_start3A_8 = arith.constant 0 : i32
      %dma_start3A_9 = tpu.memref_slice %arg2[%add3A, %dma_start3A, %dma_start3A_8] : memref<32x200x128xi32, #tpu.memory_space<hbm>> -> memref<1x200x128xi32, #tpu.memory_space<hbm>>
      %dma_start3A_10 = tpu.memref_squeeze %dma_start3A_9 : memref<1x200x128xi32, #tpu.memory_space<hbm>> -> memref<200x128xi32, #tpu.memory_space<hbm>>
      %dma_start3A_11 = arith.constant 0 : i32
      %dma_start3A_12 = arith.constant 0 : i32
      %dma_start3A_13 = tpu.memref_slice %arg2[%add3A, %dma_start3A_11, %dma_start3A_12] : memref<32x200x128xi32, #tpu.memory_space<hbm>> -> memref<1x200x128xi32, #tpu.memory_space<hbm>>
      %dma_start3A_14 = tpu.memref_squeeze %dma_start3A_13 : memref<1x200x128xi32, #tpu.memory_space<hbm>> -> memref<200x128xi32, #tpu.memory_space<hbm>>
      tpu.enqueue_dma source(%dma_start3A_14 : memref<200x128xi32, #tpu.memory_space<hbm>>) target(%arg5 : memref<200x128xi32, #tpu.memory_space<vmem>>) target_semaphore(%run_scoped3A : memref<!tpu.dma_semaphore, #tpu.memory_space<semaphore_mem>>)
      %dma_wait3A = arith.constant 0 : i32
      %dma_wait3A_15 = arith.constant 0 : i32
      %dma_wait3A_16 = tpu.memref_slice %arg2[%add3A, %dma_wait3A, %dma_wait3A_15] : memref<32x200x128xi32, #tpu.memory_space<hbm>> -> memref<1x200x128xi32, #tpu.memory_space<hbm>>
      %dma_wait3A_17 = tpu.memref_squeeze %dma_wait3A_16 : memref<1x200x128xi32, #tpu.memory_space<hbm>> -> memref<200x128xi32, #tpu.memory_space<hbm>>
      %dma_wait3A_18 = arith.constant 0 : i32
      %dma_wait3A_19 = arith.constant 0 : i32
      %dma_wait3A_20 = tpu.memref_slice %arg2[%add3A, %dma_wait3A_18, %dma_wait3A_19] : memref<32x200x128xi32, #tpu.memory_space<hbm>> -> memref<1x200x128xi32, #tpu.memory_space<hbm>>
      %dma_wait3A_21 = tpu.memref_squeeze %dma_wait3A_20 : memref<1x200x128xi32, #tpu.memory_space<hbm>> -> memref<200x128xi32, #tpu.memory_space<hbm>>
      tpu.wait_dma2 semaphore(%run_scoped3A : memref<!tpu.dma_semaphore, #tpu.memory_space<semaphore_mem>>) src(%dma_wait3A_21 : memref<200x128xi32, #tpu.memory_space<hbm>>) dst(%arg5 : memref<200x128xi32, #tpu.memory_space<vmem>>)
      tpu.yield
    }) : () -> ()
    %scan3A = arith.constant 0 : i32
    %scan3A_3 = arith.constant 0 : i32
    %scan3A_4 = arith.constant 50 : i32
    %scan3A_5 = arith.addi %scan3A_3, %scan3A_4 : i32
    %scan3A_6 = arith.constant 1 : i32
    scf.for %scan3A_8 = %scan3A_3 to %scan3A_5 step %scan3A_6  : i32 {
      %mul3A_9 = arith.constant 4 : i32
      %mul3A_10 = arith.muli %scan3A_8, %mul3A_9 : i32
      %add3A_11 = arith.constant 0 : i32
      %add3A_12 = arith.addi %mul3A_10, %add3A_11 : i32
      %dma_start3A = arith.constant 0 : i32
      %dma_start3A_13 = arith.constant 0 : i32
      %dma_start3A_14 = arith.constant 0 : i32
      %dma_start3A_15 = tpu.memref_slice %arg6[%dma_start3A, %dma_start3A_13, %dma_start3A_14] : memref<4x128x64xf32, #tpu.memory_space<vmem>> -> memref<1x128x64xf32, #tpu.memory_space<vmem>>
      %dma_start3A_16 = tpu.memref_squeeze %dma_start3A_15 : memref<1x128x64xf32, #tpu.memory_space<vmem>> -> memref<128x64xf32, #tpu.memory_space<vmem>>
      %dma_start3A_17 = arith.constant 0 : i32
      %dma_start3A_18 = tpu.memref_slice %arg5[%add3A_12, %dma_start3A_17] : memref<200x128xi32, #tpu.memory_space<vmem>> -> memref<1x128xi32, #tpu.memory_space<vmem>>
      %dma_start3A_19 = tpu.memref_squeeze %dma_start3A_18 : memref<1x128xi32, #tpu.memory_space<vmem>> -> memref<128xi32, #tpu.memory_space<vmem>>
      %dma_start3A_20 = arith.constant 0 : i32
      %dma_start3A_21 = arith.constant 0 : i32
      %dma_start3A_22 = tpu.memref_slice %arg3[%dma_start3A_20, %dma_start3A_21] : memref<1000000x64xf32, #tpu.memory_space<hbm>> -> memref<1000000x64xf32, #tpu.memory_space<hbm>>
      tpu.enqueue_indirect_dma source(%dma_start3A_22 : memref<1000000x64xf32, #tpu.memory_space<hbm>>) target(%dma_start3A_16 : memref<128x64xf32, #tpu.memory_space<vmem>>) offsets(%dma_start3A_19 : memref<128xi32, #tpu.memory_space<vmem>>) semaphore(%arg7 : memref<!tpu.dma_semaphore, #tpu.memory_space<semaphore_mem>>)
      %add3A_23 = arith.constant 1 : i32
      %add3A_24 = arith.addi %mul3A_10, %add3A_23 : i32
      %dma_start3A_25 = arith.constant 1 : i32
      %dma_start3A_26 = arith.constant 0 : i32
      %dma_start3A_27 = arith.constant 0 : i32
      %dma_start3A_28 = tpu.memref_slice %arg6[%dma_start3A_25, %dma_start3A_26, %dma_start3A_27] : memref<4x128x64xf32, #tpu.memory_space<vmem>> -> memref<1x128x64xf32, #tpu.memory_space<vmem>>
      %dma_start3A_29 = tpu.memref_squeeze %dma_start3A_28 : memref<1x128x64xf32, #tpu.memory_space<vmem>> -> memref<128x64xf32, #tpu.memory_space<vmem>>
      %dma_start3A_30 = arith.constant 0 : i32
      %dma_start3A_31 = tpu.memref_slice %arg5[%add3A_24, %dma_start3A_30] : memref<200x128xi32, #tpu.memory_space<vmem>> -> memref<1x128xi32, #tpu.memory_space<vmem>>
      %dma_start3A_32 = tpu.memref_squeeze %dma_start3A_31 : memref<1x128xi32, #tpu.memory_space<vmem>> -> memref<128xi32, #tpu.memory_space<vmem>>
      %dma_start3A_33 = arith.constant 0 : i32
      %dma_start3A_34 = arith.constant 0 : i32
      %dma_start3A_35 = tpu.memref_slice %arg3[%dma_start3A_33, %dma_start3A_34] : memref<1000000x64xf32, #tpu.memory_space<hbm>> -> memref<1000000x64xf32, #tpu.memory_space<hbm>>
      tpu.enqueue_indirect_dma source(%dma_start3A_35 : memref<1000000x64xf32, #tpu.memory_space<hbm>>) target(%dma_start3A_29 : memref<128x64xf32, #tpu.memory_space<vmem>>) offsets(%dma_start3A_32 : memref<128xi32, #tpu.memory_space<vmem>>) semaphore(%arg7 : memref<!tpu.dma_semaphore, #tpu.memory_space<semaphore_mem>>)
      %add3A_36 = arith.constant 2 : i32
      %add3A_37 = arith.addi %mul3A_10, %add3A_36 : i32
      %dma_start3A_38 = arith.constant 2 : i32
      %dma_start3A_39 = arith.constant 0 : i32
      %dma_start3A_40 = arith.constant 0 : i32
      %dma_start3A_41 = tpu.memref_slice %arg6[%dma_start3A_38, %dma_start3A_39, %dma_start3A_40] : memref<4x128x64xf32, #tpu.memory_space<vmem>> -> memref<1x128x64xf32, #tpu.memory_space<vmem>>
      %dma_start3A_42 = tpu.memref_squeeze %dma_start3A_41 : memref<1x128x64xf32, #tpu.memory_space<vmem>> -> memref<128x64xf32, #tpu.memory_space<vmem>>
      %dma_start3A_43 = arith.constant 0 : i32
      %dma_start3A_44 = tpu.memref_slice %arg5[%add3A_37, %dma_start3A_43] : memref<200x128xi32, #tpu.memory_space<vmem>> -> memref<1x128xi32, #tpu.memory_space<vmem>>
      %dma_start3A_45 = tpu.memref_squeeze %dma_start3A_44 : memref<1x128xi32, #tpu.memory_space<vmem>> -> memref<128xi32, #tpu.memory_space<vmem>>
      %dma_start3A_46 = arith.constant 0 : i32
      %dma_start3A_47 = arith.constant 0 : i32
      %dma_start3A_48 = tpu.memref_slice %arg3[%dma_start3A_46, %dma_start3A_47] : memref<1000000x64xf32, #tpu.memory_space<hbm>> -> memref<1000000x64xf32, #tpu.memory_space<hbm>>
      tpu.enqueue_indirect_dma source(%dma_start3A_48 : memref<1000000x64xf32, #tpu.memory_space<hbm>>) target(%dma_start3A_42 : memref<128x64xf32, #tpu.memory_space<vmem>>) offsets(%dma_start3A_45 : memref<128xi32, #tpu.memory_space<vmem>>) semaphore(%arg7 : memref<!tpu.dma_semaphore, #tpu.memory_space<semaphore_mem>>)
      %add3A_49 = arith.constant 3 : i32
      %add3A_50 = arith.addi %mul3A_10, %add3A_49 : i32
      %dma_start3A_51 = arith.constant 3 : i32
      %dma_start3A_52 = arith.constant 0 : i32
      %dma_start3A_53 = arith.constant 0 : i32
      %dma_start3A_54 = tpu.memref_slice %arg6[%dma_start3A_51, %dma_start3A_52, %dma_start3A_53] : memref<4x128x64xf32, #tpu.memory_space<vmem>> -> memref<1x128x64xf32, #tpu.memory_space<vmem>>
      %dma_start3A_55 = tpu.memref_squeeze %dma_start3A_54 : memref<1x128x64xf32, #tpu.memory_space<vmem>> -> memref<128x64xf32, #tpu.memory_space<vmem>>
      %dma_start3A_56 = arith.constant 0 : i32
      %dma_start3A_57 = tpu.memref_slice %arg5[%add3A_50, %dma_start3A_56] : memref<200x128xi32, #tpu.memory_space<vmem>> -> memref<1x128xi32, #tpu.memory_space<vmem>>
      %dma_start3A_58 = tpu.memref_squeeze %dma_start3A_57 : memref<1x128xi32, #tpu.memory_space<vmem>> -> memref<128xi32, #tpu.memory_space<vmem>>
      %dma_start3A_59 = arith.constant 0 : i32
      %dma_start3A_60 = arith.constant 0 : i32
      %dma_start3A_61 = tpu.memref_slice %arg3[%dma_start3A_59, %dma_start3A_60] : memref<1000000x64xf32, #tpu.memory_space<hbm>> -> memref<1000000x64xf32, #tpu.memory_space<hbm>>
      tpu.enqueue_indirect_dma source(%dma_start3A_61 : memref<1000000x64xf32, #tpu.memory_space<hbm>>) target(%dma_start3A_55 : memref<128x64xf32, #tpu.memory_space<vmem>>) offsets(%dma_start3A_58 : memref<128xi32, #tpu.memory_space<vmem>>) semaphore(%arg7 : memref<!tpu.dma_semaphore, #tpu.memory_space<semaphore_mem>>)
      %dma_wait3A = arith.constant 0 : i32
      %dma_wait3A_62 = arith.constant 0 : i32
      %dma_wait3A_63 = arith.constant 0 : i32
      %dma_wait3A_64 = tpu.memref_slice %arg6[%dma_wait3A, %dma_wait3A_62, %dma_wait3A_63] : memref<4x128x64xf32, #tpu.memory_space<vmem>> -> memref<1x128x64xf32, #tpu.memory_space<vmem>>
      %dma_wait3A_65 = tpu.memref_squeeze %dma_wait3A_64 : memref<1x128x64xf32, #tpu.memory_space<vmem>> -> memref<128x64xf32, #tpu.memory_space<vmem>>
      %dma_wait3A_66 = arith.constant 0 : i32
      %dma_wait3A_67 = tpu.memref_slice %arg5[%add3A_12, %dma_wait3A_66] : memref<200x128xi32, #tpu.memory_space<vmem>> -> memref<1x128xi32, #tpu.memory_space<vmem>>
      %dma_wait3A_68 = tpu.memref_squeeze %dma_wait3A_67 : memref<1x128xi32, #tpu.memory_space<vmem>> -> memref<128xi32, #tpu.memory_space<vmem>>
      %dma_wait3A_69 = arith.constant 0 : i32
      %dma_wait3A_70 = arith.constant 0 : i32
      %dma_wait3A_71 = tpu.memref_slice %arg3[%dma_wait3A_69, %dma_wait3A_70] : memref<1000000x64xf32, #tpu.memory_space<hbm>> -> memref<1000000x64xf32, #tpu.memory_space<hbm>>
      tpu.wait_indirect_dma semaphore(%arg7 : memref<!tpu.dma_semaphore, #tpu.memory_space<semaphore_mem>>) src(%dma_wait3A_71 : memref<1000000x64xf32, #tpu.memory_space<hbm>>) dst(%dma_wait3A_65 : memref<128x64xf32, #tpu.memory_space<vmem>>)
      %scan3A_72 = arith.constant 0 : i32
      %scan3A_73 = arith.constant 0 : i32
      %scan3A_74 = arith.constant 128 : i32
      %scan3A_75 = arith.addi %scan3A_73, %scan3A_74 : i32
      %scan3A_76 = arith.constant 1 : i32
      %scan3A_77 = scf.for %scan3A_257 = %scan3A_73 to %scan3A_75 step %scan3A_76 iter_args(%scan3A_258 = %scan3A_72) -> (i32)  : i32 {
        %get3A = arith.constant 0 : i32
        %get3A_259 = arith.index_cast %get3A : i32 to index
        %get3A_260 = arith.index_cast %scan3A_257 : i32 to index
        %get3A_261 = arith.constant 0 : index
        %get3A_262 = tpu.vector_load %arg6[%get3A_259, %get3A_260, %get3A_261] {strides = array<i32>} : memref<4x128x64xf32, #tpu.memory_space<vmem>>, vector<1x1x16xf32>,
        %get3A_263 = vector.shape_cast %get3A_262 : vector<1x1x16xf32> to vector<16xf32>
        %bitcast_convert_type3A = tpu.bitcast %get3A_263 : vector<16xf32> -> vector<16xi32>
        %or3A = arith.constant -2147483648 : i32
        %or3A_264 = vector.broadcast %or3A : i32 to vector<16xi32>
        %or3A_265 = arith.ori %bitcast_convert_type3A, %or3A_264 : vector<16xi32>
        %bitcast_convert_type3A_266 = tpu.bitcast %or3A_265 : vector<16xi32> -> vector<16xf32>
        %exp3A = math.exp %bitcast_convert_type3A_266 : vector<16xf32>
        %mul3A_267 = arith.constant -0.0747361481 : f32
        %mul3A_268 = vector.broadcast %mul3A_267 : f32 to vector<16xf32>
        %mul3A_269 = arith.mulf %mul3A_268, %exp3A : vector<16xf32>
        %add3A_270 = arith.constant 0.254622221 : f32
        %add3A_271 = vector.broadcast %add3A_270 : f32 to vector<16xf32>
        %add3A_272 = arith.addf %mul3A_269, %add3A_271 : vector<16xf32>
        %mul3A_273 = arith.mulf %add3A_272, %exp3A : vector<16xf32>
        %add3A_274 = arith.constant -0.486643076 : f32
        %add3A_275 = vector.broadcast %add3A_274 : f32 to vector<16xf32>
        %add3A_276 = arith.addf %mul3A_273, %add3A_275 : vector<16xf32>
        %mul3A_277 = arith.mulf %add3A_276, %exp3A : vector<16xf32>
        %add3A_278 = arith.constant 0.999620378 : f32
        %add3A_279 = vector.broadcast %add3A_278 : f32 to vector<16xf32>
        %add3A_280 = arith.addf %mul3A_277, %add3A_279 : vector<16xf32>
        %max3A = arith.constant 0.000000e+00 : f32
        %max3A_281 = vector.broadcast %max3A : f32 to vector<16xf32>
        %max3A_282 = arith.maximumf %get3A_263, %max3A_281 : vector<16xf32>
        %mul3A_283 = arith.mulf %exp3A, %add3A_280 : vector<16xf32>
        %add3A_284 = arith.addf %max3A_282, %mul3A_283 : vector<16xf32>
        %swap3A = arith.constant 0 : i32
        %swap3A_285 = arith.index_cast %swap3A : i32 to index
        %swap3A_286 = arith.index_cast %scan3A_257 : i32 to index
        %swap3A_287 = arith.constant 0 : index
        %swap3A_288 = tpu.vector_load %arg6[%swap3A_285, %swap3A_286, %swap3A_287] {strides = array<i32>} : memref<4x128x64xf32, #tpu.memory_space<vmem>>, vector<1x1x16xf32>,
        %swap3A_289 = vector.shape_cast %swap3A_288 : vector<1x1x16xf32> to vector<16xf32>
        %swap3A_290 = vector.shape_cast %add3A_284 : vector<16xf32> to vector<1x1x16xf32>
        tpu.vector_store %arg6[%swap3A_285, %swap3A_286, %swap3A_287], %swap3A_290 {strides = array<i32>} : memref<4x128x64xf32, #tpu.memory_space<vmem>>, vector<1x1x16xf32>,
        %get3A_291 = arith.constant 0 : i32
        %get3A_292 = arith.index_cast %get3A_291 : i32 to index
        %get3A_293 = arith.index_cast %scan3A_257 : i32 to index
        %get3A_294 = arith.constant 16 : index
        %get3A_295 = tpu.vector_load %arg6[%get3A_292, %get3A_293, %get3A_294] {strides = array<i32>} : memref<4x128x64xf32, #tpu.memory_space<vmem>>, vector<1x1x16xf32>,
        %get3A_296 = vector.shape_cast %get3A_295 : vector<1x1x16xf32> to vector<16xf32>
        %bitcast_convert_type3A_297 = tpu.bitcast %get3A_296 : vector<16xf32> -> vector<16xi32>
        %or3A_298 = arith.constant -2147483648 : i32
        %or3A_299 = vector.broadcast %or3A_298 : i32 to vector<16xi32>
        %or3A_300 = arith.ori %bitcast_convert_type3A_297, %or3A_299 : vector<16xi32>
        %bitcast_convert_type3A_301 = tpu.bitcast %or3A_300 : vector<16xi32> -> vector<16xf32>
        %exp3A_302 = math.exp %bitcast_convert_type3A_301 : vector<16xf32>
        %mul3A_303 = arith.constant -0.0747361481 : f32
        %mul3A_304 = vector.broadcast %mul3A_303 : f32 to vector<16xf32>
        %mul3A_305 = arith.mulf %mul3A_304, %exp3A_302 : vector<16xf32>
        %add3A_306 = arith.constant 0.254622221 : f32
        %add3A_307 = vector.broadcast %add3A_306 : f32 to vector<16xf32>
        %add3A_308 = arith.addf %mul3A_305, %add3A_307 : vector<16xf32>
        %mul3A_309 = arith.mulf %add3A_308, %exp3A_302 : vector<16xf32>
        %add3A_310 = arith.constant -0.486643076 : f32
        %add3A_311 = vector.broadcast %add3A_310 : f32 to vector<16xf32>
        %add3A_312 = arith.addf %mul3A_309, %add3A_311 : vector<16xf32>
        %mul3A_313 = arith.mulf %add3A_312, %exp3A_302 : vector<16xf32>
        %add3A_314 = arith.constant 0.999620378 : f32
        %add3A_315 = vector.broadcast %add3A_314 : f32 to vector<16xf32>
        %add3A_316 = arith.addf %mul3A_313, %add3A_315 : vector<16xf32>
        %max3A_317 = arith.constant 0.000000e+00 : f32
        %max3A_318 = vector.broadcast %max3A_317 : f32 to vector<16xf32>
        %max3A_319 = arith.maximumf %get3A_296, %max3A_318 : vector<16xf32>
        %mul3A_320 = arith.mulf %exp3A_302, %add3A_316 : vector<16xf32>
        %add3A_321 = arith.addf %max3A_319, %mul3A_320 : vector<16xf32>
        %swap3A_322 = arith.constant 0 : i32
        %swap3A_323 = arith.index_cast %swap3A_322 : i32 to index
        %swap3A_324 = arith.index_cast %scan3A_257 : i32 to index
        %swap3A_325 = arith.constant 16 : index
        %swap3A_326 = tpu.vector_load %arg6[%swap3A_323, %swap3A_324, %swap3A_325] {strides = array<i32>} : memref<4x128x64xf32, #tpu.memory_space<vmem>>, vector<1x1x16xf32>,
        %swap3A_327 = vector.shape_cast %swap3A_326 : vector<1x1x16xf32> to vector<16xf32>
        %swap3A_328 = vector.shape_cast %add3A_321 : vector<16xf32> to vector<1x1x16xf32>
        tpu.vector_store %arg6[%swap3A_323, %swap3A_324, %swap3A_325], %swap3A_328 {strides = array<i32>} : memref<4x128x64xf32, #tpu.memory_space<vmem>>, vector<1x1x16xf32>,
        %get3A_329 = arith.constant 0 : i32
        %get3A_330 = arith.index_cast %get3A_329 : i32 to index
        %get3A_331 = arith.index_cast %scan3A_257 : i32 to index
        %get3A_332 = arith.constant 32 : index
        %get3A_333 = tpu.vector_load %arg6[%get3A_330, %get3A_331, %get3A_332] {strides = array<i32>} : memref<4x128x64xf32, #tpu.memory_space<vmem>>, vector<1x1x16xf32>,
        %get3A_334 = vector.shape_cast %get3A_333 : vector<1x1x16xf32> to vector<16xf32>
        %bitcast_convert_type3A_335 = tpu.bitcast %get3A_334 : vector<16xf32> -> vector<16xi32>
        %or3A_336 = arith.constant -2147483648 : i32
        %or3A_337 = vector.broadcast %or3A_336 : i32 to vector<16xi32>
        %or3A_338 = arith.ori %bitcast_convert_type3A_335, %or3A_337 : vector<16xi32>
        %bitcast_convert_type3A_339 = tpu.bitcast %or3A_338 : vector<16xi32> -> vector<16xf32>
        %exp3A_340 = math.exp %bitcast_convert_type3A_339 : vector<16xf32>
        %mul3A_341 = arith.constant -0.0747361481 : f32
        %mul3A_342 = vector.broadcast %mul3A_341 : f32 to vector<16xf32>
        %mul3A_343 = arith.mulf %mul3A_342, %exp3A_340 : vector<16xf32>
        %add3A_344 = arith.constant 0.254622221 : f32
        %add3A_345 = vector.broadcast %add3A_344 : f32 to vector<16xf32>
        %add3A_346 = arith.addf %mul3A_343, %add3A_345 : vector<16xf32>
        %mul3A_347 = arith.mulf %add3A_346, %exp3A_340 : vector<16xf32>
        %add3A_348 = arith.constant -0.486643076 : f32
        %add3A_349 = vector.broadcast %add3A_348 : f32 to vector<16xf32>
        %add3A_350 = arith.addf %mul3A_347, %add3A_349 : vector<16xf32>
        %mul3A_351 = arith.mulf %add3A_350, %exp3A_340 : vector<16xf32>
        %add3A_352 = arith.constant 0.999620378 : f32
        %add3A_353 = vector.broadcast %add3A_352 : f32 to vector<16xf32>
        %add3A_354 = arith.addf %mul3A_351, %add3A_353 : vector<16xf32>
        %max3A_355 = arith.constant 0.000000e+00 : f32
        %max3A_356 = vector.broadcast %max3A_355 : f32 to vector<16xf32>
        %max3A_357 = arith.maximumf %get3A_334, %max3A_356 : vector<16xf32>
        %mul3A_358 = arith.mulf %exp3A_340, %add3A_354 : vector<16xf32>
        %add3A_359 = arith.addf %max3A_357, %mul3A_358 : vector<16xf32>
        %swap3A_360 = arith.constant 0 : i32
        %swap3A_361 = arith.index_cast %swap3A_360 : i32 to index
        %swap3A_362 = arith.index_cast %scan3A_257 : i32 to index
        %swap3A_363 = arith.constant 32 : index
        %swap3A_364 = tpu.vector_load %arg6[%swap3A_361, %swap3A_362, %swap3A_363] {strides = array<i32>} : memref<4x128x64xf32, #tpu.memory_space<vmem>>, vector<1x1x16xf32>,
        %swap3A_365 = vector.shape_cast %swap3A_364 : vector<1x1x16xf32> to vector<16xf32>
        %swap3A_366 = vector.shape_cast %add3A_359 : vector<16xf32> to vector<1x1x16xf32>
        tpu.vector_store %arg6[%swap3A_361, %swap3A_362, %swap3A_363], %swap3A_366 {strides = array<i32>} : memref<4x128x64xf32, #tpu.memory_space<vmem>>, vector<1x1x16xf32>,
        %get3A_367 = arith.constant 0 : i32
        %get3A_368 = arith.index_cast %get3A_367 : i32 to index
        %get3A_369 = arith.index_cast %scan3A_257 : i32 to index
        %get3A_370 = arith.constant 48 : index
        %get3A_371 = tpu.vector_load %arg6[%get3A_368, %get3A_369, %get3A_370] {strides = array<i32>} : memref<4x128x64xf32, #tpu.memory_space<vmem>>, vector<1x1x16xf32>,
        %get3A_372 = vector.shape_cast %get3A_371 : vector<1x1x16xf32> to vector<16xf32>
        %bitcast_convert_type3A_373 = tpu.bitcast %get3A_372 : vector<16xf32> -> vector<16xi32>
        %or3A_374 = arith.constant -2147483648 : i32
        %or3A_375 = vector.broadcast %or3A_374 : i32 to vector<16xi32>
        %or3A_376 = arith.ori %bitcast_convert_type3A_373, %or3A_375 : vector<16xi32>
        %bitcast_convert_type3A_377 = tpu.bitcast %or3A_376 : vector<16xi32> -> vector<16xf32>
        %exp3A_378 = math.exp %bitcast_convert_type3A_377 : vector<16xf32>
        %mul3A_379 = arith.constant -0.0747361481 : f32
        %mul3A_380 = vector.broadcast %mul3A_379 : f32 to vector<16xf32>
        %mul3A_381 = arith.mulf %mul3A_380, %exp3A_378 : vector<16xf32>
        %add3A_382 = arith.constant 0.254622221 : f32
        %add3A_383 = vector.broadcast %add3A_382 : f32 to vector<16xf32>
        %add3A_384 = arith.addf %mul3A_381, %add3A_383 : vector<16xf32>
        %mul3A_385 = arith.mulf %add3A_384, %exp3A_378 : vector<16xf32>
        %add3A_386 = arith.constant -0.486643076 : f32
        %add3A_387 = vector.broadcast %add3A_386 : f32 to vector<16xf32>
        %add3A_388 = arith.addf %mul3A_385, %add3A_387 : vector<16xf32>
        %mul3A_389 = arith.mulf %add3A_388, %exp3A_378 : vector<16xf32>
        %add3A_390 = arith.constant 0.999620378 : f32
        %add3A_391 = vector.broadcast %add3A_390 : f32 to vector<16xf32>
        %add3A_392 = arith.addf %mul3A_389, %add3A_391 : vector<16xf32>
        %max3A_393 = arith.constant 0.000000e+00 : f32
        %max3A_394 = vector.broadcast %max3A_393 : f32 to vector<16xf32>
        %max3A_395 = arith.maximumf %get3A_372, %max3A_394 : vector<16xf32>
        %mul3A_396 = arith.mulf %exp3A_378, %add3A_392 : vector<16xf32>
        %add3A_397 = arith.addf %max3A_395, %mul3A_396 : vector<16xf32>
        %swap3A_398 = arith.constant 0 : i32
        %swap3A_399 = arith.index_cast %swap3A_398 : i32 to index
        %swap3A_400 = arith.index_cast %scan3A_257 : i32 to index
        %swap3A_401 = arith.constant 48 : index
        %swap3A_402 = tpu.vector_load %arg6[%swap3A_399, %swap3A_400, %swap3A_401] {strides = array<i32>} : memref<4x128x64xf32, #tpu.memory_space<vmem>>, vector<1x1x16xf32>,
        %swap3A_403 = vector.shape_cast %swap3A_402 : vector<1x1x16xf32> to vector<16xf32>
        %swap3A_404 = vector.shape_cast %add3A_397 : vector<16xf32> to vector<1x1x16xf32>
        tpu.vector_store %arg6[%swap3A_399, %swap3A_400, %swap3A_401], %swap3A_404 {strides = array<i32>} : memref<4x128x64xf32, #tpu.memory_space<vmem>>, vector<1x1x16xf32>,
        %scan3A_405 = arith.constant 0 : i32
        scf.yield %scan3A_405 : i32
      }
      %scan3A_78 = arith.constant 128 : i32
      %add3A_79 = arith.constant 0 : i32
      %add3A_80 = arith.addi %mul3A_10, %add3A_79 : i32
      %mul3A_81 = arith.constant 128 : i32
      %mul3A_82 = arith.muli %add3A_80, %mul3A_81 : i32
      %add3A_83 = arith.addi %mul3A_2, %mul3A_82 : i32
      %dma_start3A_84 = arith.constant 0 : i32
      %dma_start3A_85 = arith.constant 0 : i32
      %dma_start3A_86 = arith.constant 0 : i32
      %dma_start3A_87 = tpu.memref_slice %arg6[%dma_start3A_84, %dma_start3A_85, %dma_start3A_86] : memref<4x128x64xf32, #tpu.memory_space<vmem>> -> memref<1x128x64xf32, #tpu.memory_space<vmem>>
      %dma_start3A_88 = tpu.memref_squeeze %dma_start3A_87 : memref<1x128x64xf32, #tpu.memory_space<vmem>> -> memref<128x64xf32, #tpu.memory_space<vmem>>
      %dma_start3A_89 = arith.constant 0 : i32
      %dma_start3A_90 = tpu.memref_slice %arg4[%add3A_83, %dma_start3A_89] : memref<819200x64xf32, #tpu.memory_space<hbm>> -> memref<128x64xf32, #tpu.memory_space<hbm>>
      %dma_start3A_91 = arith.constant 0 : i32
      %dma_start3A_92 = tpu.memref_slice %arg4[%add3A_83, %dma_start3A_91] : memref<819200x64xf32, #tpu.memory_space<hbm>> -> memref<128x64xf32, #tpu.memory_space<hbm>>
      %dma_start3A_93 = arith.constant 0 : i32
      %dma_start3A_94 = arith.constant 0 : i32
      %dma_start3A_95 = tpu.memref_slice %arg6[%dma_start3A_84, %dma_start3A_93, %dma_start3A_94] : memref<4x128x64xf32, #tpu.memory_space<vmem>> -> memref<1x128x64xf32, #tpu.memory_space<vmem>>
      %dma_start3A_96 = tpu.memref_squeeze %dma_start3A_95 : memref<1x128x64xf32, #tpu.memory_space<vmem>> -> memref<128x64xf32, #tpu.memory_space<vmem>>
      tpu.enqueue_dma source(%dma_start3A_96 : memref<128x64xf32, #tpu.memory_space<vmem>>) target(%dma_start3A_92 : memref<128x64xf32, #tpu.memory_space<hbm>>) target_semaphore(%arg8 : memref<!tpu.dma_semaphore, #tpu.memory_space<semaphore_mem>>)
      %dma_wait3A_97 = arith.constant 1 : i32
      %dma_wait3A_98 = arith.constant 0 : i32
      %dma_wait3A_99 = arith.constant 0 : i32
      %dma_wait3A_100 = tpu.memref_slice %arg6[%dma_wait3A_97, %dma_wait3A_98, %dma_wait3A_99] : memref<4x128x64xf32, #tpu.memory_space<vmem>> -> memref<1x128x64xf32, #tpu.memory_space<vmem>>
      %dma_wait3A_101 = tpu.memref_squeeze %dma_wait3A_100 : memref<1x128x64xf32, #tpu.memory_space<vmem>> -> memref<128x64xf32, #tpu.memory_space<vmem>>
      %dma_wait3A_102 = arith.constant 0 : i32
      %dma_wait3A_103 = tpu.memref_slice %arg5[%add3A_24, %dma_wait3A_102] : memref<200x128xi32, #tpu.memory_space<vmem>> -> memref<1x128xi32, #tpu.memory_space<vmem>>
      %dma_wait3A_104 = tpu.memref_squeeze %dma_wait3A_103 : memref<1x128xi32, #tpu.memory_space<vmem>> -> memref<128xi32, #tpu.memory_space<vmem>>
      %dma_wait3A_105 = arith.constant 0 : i32
      %dma_wait3A_106 = arith.constant 0 : i32
      %dma_wait3A_107 = tpu.memref_slice %arg3[%dma_wait3A_105, %dma_wait3A_106] : memref<1000000x64xf32, #tpu.memory_space<hbm>> -> memref<1000000x64xf32, #tpu.memory_space<hbm>>
      tpu.wait_indirect_dma semaphore(%arg7 : memref<!tpu.dma_semaphore, #tpu.memory_space<semaphore_mem>>) src(%dma_wait3A_107 : memref<1000000x64xf32, #tpu.memory_space<hbm>>) dst(%dma_wait3A_101 : memref<128x64xf32, #tpu.memory_space<vmem>>)
      %scan3A_108 = arith.constant 0 : i32
      %scan3A_109 = arith.constant 0 : i32
      %scan3A_110 = arith.constant 128 : i32
      %scan3A_111 = arith.addi %scan3A_109, %scan3A_110 : i32
      %scan3A_112 = arith.constant 1 : i32
      %scan3A_113 = scf.for %scan3A_257 = %scan3A_109 to %scan3A_111 step %scan3A_112 iter_args(%scan3A_258 = %scan3A_108) -> (i32)  : i32 {
        %get3A = arith.constant 1 : i32
        %get3A_259 = arith.index_cast %get3A : i32 to index
        %get3A_260 = arith.index_cast %scan3A_257 : i32 to index
        %get3A_261 = arith.constant 0 : index
        %get3A_262 = tpu.vector_load %arg6[%get3A_259, %get3A_260, %get3A_261] {strides = array<i32>} : memref<4x128x64xf32, #tpu.memory_space<vmem>>, vector<1x1x16xf32>,
        %get3A_263 = vector.shape_cast %get3A_262 : vector<1x1x16xf32> to vector<16xf32>
        %bitcast_convert_type3A = tpu.bitcast %get3A_263 : vector<16xf32> -> vector<16xi32>
        %or3A = arith.constant -2147483648 : i32
        %or3A_264 = vector.broadcast %or3A : i32 to vector<16xi32>
        %or3A_265 = arith.ori %bitcast_convert_type3A, %or3A_264 : vector<16xi32>
        %bitcast_convert_type3A_266 = tpu.bitcast %or3A_265 : vector<16xi32> -> vector<16xf32>
        %exp3A = math.exp %bitcast_convert_type3A_266 : vector<16xf32>
        %mul3A_267 = arith.constant -0.0747361481 : f32
        %mul3A_268 = vector.broadcast %mul3A_267 : f32 to vector<16xf32>
        %mul3A_269 = arith.mulf %mul3A_268, %exp3A : vector<16xf32>
        %add3A_270 = arith.constant 0.254622221 : f32
        %add3A_271 = vector.broadcast %add3A_270 : f32 to vector<16xf32>
        %add3A_272 = arith.addf %mul3A_269, %add3A_271 : vector<16xf32>
        %mul3A_273 = arith.mulf %add3A_272, %exp3A : vector<16xf32>
        %add3A_274 = arith.constant -0.486643076 : f32
        %add3A_275 = vector.broadcast %add3A_274 : f32 to vector<16xf32>
        %add3A_276 = arith.addf %mul3A_273, %add3A_275 : vector<16xf32>
        %mul3A_277 = arith.mulf %add3A_276, %exp3A : vector<16xf32>
        %add3A_278 = arith.constant 0.999620378 : f32
        %add3A_279 = vector.broadcast %add3A_278 : f32 to vector<16xf32>
        %add3A_280 = arith.addf %mul3A_277, %add3A_279 : vector<16xf32>
        %max3A = arith.constant 0.000000e+00 : f32
        %max3A_281 = vector.broadcast %max3A : f32 to vector<16xf32>
        %max3A_282 = arith.maximumf %get3A_263, %max3A_281 : vector<16xf32>
        %mul3A_283 = arith.mulf %exp3A, %add3A_280 : vector<16xf32>
        %add3A_284 = arith.addf %max3A_282, %mul3A_283 : vector<16xf32>
        %swap3A = arith.constant 1 : i32
        %swap3A_285 = arith.index_cast %swap3A : i32 to index
        %swap3A_286 = arith.index_cast %scan3A_257 : i32 to index
        %swap3A_287 = arith.constant 0 : index
        %swap3A_288 = tpu.vector_load %arg6[%swap3A_285, %swap3A_286, %swap3A_287] {strides = array<i32>} : memref<4x128x64xf32, #tpu.memory_space<vmem>>, vector<1x1x16xf32>,
        %swap3A_289 = vector.shape_cast %swap3A_288 : vector<1x1x16xf32> to vector<16xf32>
        %swap3A_290 = vector.shape_cast %add3A_284 : vector<16xf32> to vector<1x1x16xf32>
        tpu.vector_store %arg6[%swap3A_285, %swap3A_286, %swap3A_287], %swap3A_290 {strides = array<i32>} : memref<4x128x64xf32, #tpu.memory_space<vmem>>, vector<1x1x16xf32>,
        %get3A_291 = arith.constant 1 : i32
        %get3A_292 = arith.index_cast %get3A_291 : i32 to index
        %get3A_293 = arith.index_cast %scan3A_257 : i32 to index
        %get3A_294 = arith.constant 16 : index
        %get3A_295 = tpu.vector_load %arg6[%get3A_292, %get3A_293, %get3A_294] {strides = array<i32>} : memref<4x128x64xf32, #tpu.memory_space<vmem>>, vector<1x1x16xf32>,
        %get3A_296 = vector.shape_cast %get3A_295 : vector<1x1x16xf32> to vector<16xf32>
        %bitcast_convert_type3A_297 = tpu.bitcast %get3A_296 : vector<16xf32> -> vector<16xi32>
        %or3A_298 = arith.constant -2147483648 : i32
        %or3A_299 = vector.broadcast %or3A_298 : i32 to vector<16xi32>
        %or3A_300 = arith.ori %bitcast_convert_type3A_297, %or3A_299 : vector<16xi32>
        %bitcast_convert_type3A_301 = tpu.bitcast %or3A_300 : vector<16xi32> -> vector<16xf32>
        %exp3A_302 = math.exp %bitcast_convert_type3A_301 : vector<16xf32>
        %mul3A_303 = arith.constant -0.0747361481 : f32
        %mul3A_304 = vector.broadcast %mul3A_303 : f32 to vector<16xf32>
        %mul3A_305 = arith.mulf %mul3A_304, %exp3A_302 : vector<16xf32>
        %add3A_306 = arith.constant 0.254622221 : f32
        %add3A_307 = vector.broadcast %add3A_306 : f32 to vector<16xf32>
        %add3A_308 = arith.addf %mul3A_305, %add3A_307 : vector<16xf32>
        %mul3A_309 = arith.mulf %add3A_308, %exp3A_302 : vector<16xf32>
        %add3A_310 = arith.constant -0.486643076 : f32
        %add3A_311 = vector.broadcast %add3A_310 : f32 to vector<16xf32>
        %add3A_312 = arith.addf %mul3A_309, %add3A_311 : vector<16xf32>
        %mul3A_313 = arith.mulf %add3A_312, %exp3A_302 : vector<16xf32>
        %add3A_314 = arith.constant 0.999620378 : f32
        %add3A_315 = vector.broadcast %add3A_314 : f32 to vector<16xf32>
        %add3A_316 = arith.addf %mul3A_313, %add3A_315 : vector<16xf32>
        %max3A_317 = arith.constant 0.000000e+00 : f32
        %max3A_318 = vector.broadcast %max3A_317 : f32 to vector<16xf32>
        %max3A_319 = arith.maximumf %get3A_296, %max3A_318 : vector<16xf32>
        %mul3A_320 = arith.mulf %exp3A_302, %add3A_316 : vector<16xf32>
        %add3A_321 = arith.addf %max3A_319, %mul3A_320 : vector<16xf32>
        %swap3A_322 = arith.constant 1 : i32
        %swap3A_323 = arith.index_cast %swap3A_322 : i32 to index
        %swap3A_324 = arith.index_cast %scan3A_257 : i32 to index
        %swap3A_325 = arith.constant 16 : index
        %swap3A_326 = tpu.vector_load %arg6[%swap3A_323, %swap3A_324, %swap3A_325] {strides = array<i32>} : memref<4x128x64xf32, #tpu.memory_space<vmem>>, vector<1x1x16xf32>,
        %swap3A_327 = vector.shape_cast %swap3A_326 : vector<1x1x16xf32> to vector<16xf32>
        %swap3A_328 = vector.shape_cast %add3A_321 : vector<16xf32> to vector<1x1x16xf32>
        tpu.vector_store %arg6[%swap3A_323, %swap3A_324, %swap3A_325], %swap3A_328 {strides = array<i32>} : memref<4x128x64xf32, #tpu.memory_space<vmem>>, vector<1x1x16xf32>,
        %get3A_329 = arith.constant 1 : i32
        %get3A_330 = arith.index_cast %get3A_329 : i32 to index
        %get3A_331 = arith.index_cast %scan3A_257 : i32 to index
        %get3A_332 = arith.constant 32 : index
        %get3A_333 = tpu.vector_load %arg6[%get3A_330, %get3A_331, %get3A_332] {strides = array<i32>} : memref<4x128x64xf32, #tpu.memory_space<vmem>>, vector<1x1x16xf32>,
        %get3A_334 = vector.shape_cast %get3A_333 : vector<1x1x16xf32> to vector<16xf32>
        %bitcast_convert_type3A_335 = tpu.bitcast %get3A_334 : vector<16xf32> -> vector<16xi32>
        %or3A_336 = arith.constant -2147483648 : i32
        %or3A_337 = vector.broadcast %or3A_336 : i32 to vector<16xi32>
        %or3A_338 = arith.ori %bitcast_convert_type3A_335, %or3A_337 : vector<16xi32>
        %bitcast_convert_type3A_339 = tpu.bitcast %or3A_338 : vector<16xi32> -> vector<16xf32>
        %exp3A_340 = math.exp %bitcast_convert_type3A_339 : vector<16xf32>
        %mul3A_341 = arith.constant -0.0747361481 : f32
        %mul3A_342 = vector.broadcast %mul3A_341 : f32 to vector<16xf32>
        %mul3A_343 = arith.mulf %mul3A_342, %exp3A_340 : vector<16xf32>
        %add3A_344 = arith.constant 0.254622221 : f32
        %add3A_345 = vector.broadcast %add3A_344 : f32 to vector<16xf32>
        %add3A_346 = arith.addf %mul3A_343, %add3A_345 : vector<16xf32>
        %mul3A_347 = arith.mulf %add3A_346, %exp3A_340 : vector<16xf32>
        %add3A_348 = arith.constant -0.486643076 : f32
        %add3A_349 = vector.broadcast %add3A_348 : f32 to vector<16xf32>
        %add3A_350 = arith.addf %mul3A_347, %add3A_349 : vector<16xf32>
        %mul3A_351 = arith.mulf %add3A_350, %exp3A_340 : vector<16xf32>
        %add3A_352 = arith.constant 0.999620378 : f32
        %add3A_353 = vector.broadcast %add3A_352 : f32 to vector<16xf32>
        %add3A_354 = arith.addf %mul3A_351, %add3A_353 : vector<16xf32>
        %max3A_355 = arith.constant 0.000000e+00 : f32
        %max3A_356 = vector.broadcast %max3A_355 : f32 to vector<16xf32>
        %max3A_357 = arith.maximumf %get3A_334, %max3A_356 : vector<16xf32>
        %mul3A_358 = arith.mulf %exp3A_340, %add3A_354 : vector<16xf32>
        %add3A_359 = arith.addf %max3A_357, %mul3A_358 : vector<16xf32>
        %swap3A_360 = arith.constant 1 : i32
        %swap3A_361 = arith.index_cast %swap3A_360 : i32 to index
        %swap3A_362 = arith.index_cast %scan3A_257 : i32 to index
        %swap3A_363 = arith.constant 32 : index
        %swap3A_364 = tpu.vector_load %arg6[%swap3A_361, %swap3A_362, %swap3A_363] {strides = array<i32>} : memref<4x128x64xf32, #tpu.memory_space<vmem>>, vector<1x1x16xf32>,
        %swap3A_365 = vector.shape_cast %swap3A_364 : vector<1x1x16xf32> to vector<16xf32>
        %swap3A_366 = vector.shape_cast %add3A_359 : vector<16xf32> to vector<1x1x16xf32>
        tpu.vector_store %arg6[%swap3A_361, %swap3A_362, %swap3A_363], %swap3A_366 {strides = array<i32>} : memref<4x128x64xf32, #tpu.memory_space<vmem>>, vector<1x1x16xf32>,
        %get3A_367 = arith.constant 1 : i32
        %get3A_368 = arith.index_cast %get3A_367 : i32 to index
        %get3A_369 = arith.index_cast %scan3A_257 : i32 to index
        %get3A_370 = arith.constant 48 : index
        %get3A_371 = tpu.vector_load %arg6[%get3A_368, %get3A_369, %get3A_370] {strides = array<i32>} : memref<4x128x64xf32, #tpu.memory_space<vmem>>, vector<1x1x16xf32>,
        %get3A_372 = vector.shape_cast %get3A_371 : vector<1x1x16xf32> to vector<16xf32>
        %bitcast_convert_type3A_373 = tpu.bitcast %get3A_372 : vector<16xf32> -> vector<16xi32>
        %or3A_374 = arith.constant -2147483648 : i32
        %or3A_375 = vector.broadcast %or3A_374 : i32 to vector<16xi32>
        %or3A_376 = arith.ori %bitcast_convert_type3A_373, %or3A_375 : vector<16xi32>
        %bitcast_convert_type3A_377 = tpu.bitcast %or3A_376 : vector<16xi32> -> vector<16xf32>
        %exp3A_378 = math.exp %bitcast_convert_type3A_377 : vector<16xf32>
        %mul3A_379 = arith.constant -0.0747361481 : f32
        %mul3A_380 = vector.broadcast %mul3A_379 : f32 to vector<16xf32>
        %mul3A_381 = arith.mulf %mul3A_380, %exp3A_378 : vector<16xf32>
        %add3A_382 = arith.constant 0.254622221 : f32
        %add3A_383 = vector.broadcast %add3A_382 : f32 to vector<16xf32>
        %add3A_384 = arith.addf %mul3A_381, %add3A_383 : vector<16xf32>
        %mul3A_385 = arith.mulf %add3A_384, %exp3A_378 : vector<16xf32>
        %add3A_386 = arith.constant -0.486643076 : f32
        %add3A_387 = vector.broadcast %add3A_386 : f32 to vector<16xf32>
        %add3A_388 = arith.addf %mul3A_385, %add3A_387 : vector<16xf32>
        %mul3A_389 = arith.mulf %add3A_388, %exp3A_378 : vector<16xf32>
        %add3A_390 = arith.constant 0.999620378 : f32
        %add3A_391 = vector.broadcast %add3A_390 : f32 to vector<16xf32>
        %add3A_392 = arith.addf %mul3A_389, %add3A_391 : vector<16xf32>
        %max3A_393 = arith.constant 0.000000e+00 : f32
        %max3A_394 = vector.broadcast %max3A_393 : f32 to vector<16xf32>
        %max3A_395 = arith.maximumf %get3A_372, %max3A_394 : vector<16xf32>
        %mul3A_396 = arith.mulf %exp3A_378, %add3A_392 : vector<16xf32>
        %add3A_397 = arith.addf %max3A_395, %mul3A_396 : vector<16xf32>
        %swap3A_398 = arith.constant 1 : i32
        %swap3A_399 = arith.index_cast %swap3A_398 : i32 to index
        %swap3A_400 = arith.index_cast %scan3A_257 : i32 to index
        %swap3A_401 = arith.constant 48 : index
        %swap3A_402 = tpu.vector_load %arg6[%swap3A_399, %swap3A_400, %swap3A_401] {strides = array<i32>} : memref<4x128x64xf32, #tpu.memory_space<vmem>>, vector<1x1x16xf32>,
        %swap3A_403 = vector.shape_cast %swap3A_402 : vector<1x1x16xf32> to vector<16xf32>
        %swap3A_404 = vector.shape_cast %add3A_397 : vector<16xf32> to vector<1x1x16xf32>
        tpu.vector_store %arg6[%swap3A_399, %swap3A_400, %swap3A_401], %swap3A_404 {strides = array<i32>} : memref<4x128x64xf32, #tpu.memory_space<vmem>>, vector<1x1x16xf32>,
        %scan3A_405 = arith.constant 0 : i32
        scf.yield %scan3A_405 : i32
      }
      %scan3A_114 = arith.constant 128 : i32
      %add3A_115 = arith.constant 1 : i32
      %add3A_116 = arith.addi %mul3A_10, %add3A_115 : i32
      %mul3A_117 = arith.constant 128 : i32
      %mul3A_118 = arith.muli %add3A_116, %mul3A_117 : i32
      %add3A_119 = arith.addi %mul3A_2, %mul3A_118 : i32
      %dma_start3A_120 = arith.constant 1 : i32
      %dma_start3A_121 = arith.constant 0 : i32
      %dma_start3A_122 = arith.constant 0 : i32
      %dma_start3A_123 = tpu.memref_slice %arg6[%dma_start3A_120, %dma_start3A_121, %dma_start3A_122] : memref<4x128x64xf32, #tpu.memory_space<vmem>> -> memref<1x128x64xf32, #tpu.memory_space<vmem>>
      %dma_start3A_124 = tpu.memref_squeeze %dma_start3A_123 : memref<1x128x64xf32, #tpu.memory_space<vmem>> -> memref<128x64xf32, #tpu.memory_space<vmem>>
      %dma_start3A_125 = arith.constant 0 : i32
      %dma_start3A_126 = tpu.memref_slice %arg4[%add3A_119, %dma_start3A_125] : memref<819200x64xf32, #tpu.memory_space<hbm>> -> memref<128x64xf32, #tpu.memory_space<hbm>>
      %dma_start3A_127 = arith.constant 0 : i32
      %dma_start3A_128 = tpu.memref_slice %arg4[%add3A_119, %dma_start3A_127] : memref<819200x64xf32, #tpu.memory_space<hbm>> -> memref<128x64xf32, #tpu.memory_space<hbm>>
      %dma_start3A_129 = arith.constant 0 : i32
      %dma_start3A_130 = arith.constant 0 : i32
      %dma_start3A_131 = tpu.memref_slice %arg6[%dma_start3A_120, %dma_start3A_129, %dma_start3A_130] : memref<4x128x64xf32, #tpu.memory_space<vmem>> -> memref<1x128x64xf32, #tpu.memory_space<vmem>>
      %dma_start3A_132 = tpu.memref_squeeze %dma_start3A_131 : memref<1x128x64xf32, #tpu.memory_space<vmem>> -> memref<128x64xf32, #tpu.memory_space<vmem>>
      tpu.enqueue_dma source(%dma_start3A_132 : memref<128x64xf32, #tpu.memory_space<vmem>>) target(%dma_start3A_128 : memref<128x64xf32, #tpu.memory_space<hbm>>) target_semaphore(%arg8 : memref<!tpu.dma_semaphore, #tpu.memory_space<semaphore_mem>>)
      %dma_wait3A_133 = arith.constant 2 : i32
      %dma_wait3A_134 = arith.constant 0 : i32
      %dma_wait3A_135 = arith.constant 0 : i32
      %dma_wait3A_136 = tpu.memref_slice %arg6[%dma_wait3A_133, %dma_wait3A_134, %dma_wait3A_135] : memref<4x128x64xf32, #tpu.memory_space<vmem>> -> memref<1x128x64xf32, #tpu.memory_space<vmem>>
      %dma_wait3A_137 = tpu.memref_squeeze %dma_wait3A_136 : memref<1x128x64xf32, #tpu.memory_space<vmem>> -> memref<128x64xf32, #tpu.memory_space<vmem>>
      %dma_wait3A_138 = arith.constant 0 : i32
      %dma_wait3A_139 = tpu.memref_slice %arg5[%add3A_37, %dma_wait3A_138] : memref<200x128xi32, #tpu.memory_space<vmem>> -> memref<1x128xi32, #tpu.memory_space<vmem>>
      %dma_wait3A_140 = tpu.memref_squeeze %dma_wait3A_139 : memref<1x128xi32, #tpu.memory_space<vmem>> -> memref<128xi32, #tpu.memory_space<vmem>>
      %dma_wait3A_141 = arith.constant 0 : i32
      %dma_wait3A_142 = arith.constant 0 : i32
      %dma_wait3A_143 = tpu.memref_slice %arg3[%dma_wait3A_141, %dma_wait3A_142] : memref<1000000x64xf32, #tpu.memory_space<hbm>> -> memref<1000000x64xf32, #tpu.memory_space<hbm>>
      tpu.wait_indirect_dma semaphore(%arg7 : memref<!tpu.dma_semaphore, #tpu.memory_space<semaphore_mem>>) src(%dma_wait3A_143 : memref<1000000x64xf32, #tpu.memory_space<hbm>>) dst(%dma_wait3A_137 : memref<128x64xf32, #tpu.memory_space<vmem>>)
      %scan3A_144 = arith.constant 0 : i32
      %scan3A_145 = arith.constant 0 : i32
      %scan3A_146 = arith.constant 128 : i32
      %scan3A_147 = arith.addi %scan3A_145, %scan3A_146 : i32
      %scan3A_148 = arith.constant 1 : i32
      %scan3A_149 = scf.for %scan3A_257 = %scan3A_145 to %scan3A_147 step %scan3A_148 iter_args(%scan3A_258 = %scan3A_144) -> (i32)  : i32 {
        %get3A = arith.constant 2 : i32
        %get3A_259 = arith.index_cast %get3A : i32 to index
        %get3A_260 = arith.index_cast %scan3A_257 : i32 to index
        %get3A_261 = arith.constant 0 : index
        %get3A_262 = tpu.vector_load %arg6[%get3A_259, %get3A_260, %get3A_261] {strides = array<i32>} : memref<4x128x64xf32, #tpu.memory_space<vmem>>, vector<1x1x16xf32>,
        %get3A_263 = vector.shape_cast %get3A_262 : vector<1x1x16xf32> to vector<16xf32>
        %bitcast_convert_type3A = tpu.bitcast %get3A_263 : vector<16xf32> -> vector<16xi32>
        %or3A = arith.constant -2147483648 : i32
        %or3A_264 = vector.broadcast %or3A : i32 to vector<16xi32>
        %or3A_265 = arith.ori %bitcast_convert_type3A, %or3A_264 : vector<16xi32>
        %bitcast_convert_type3A_266 = tpu.bitcast %or3A_265 : vector<16xi32> -> vector<16xf32>
        %exp3A = math.exp %bitcast_convert_type3A_266 : vector<16xf32>
        %mul3A_267 = arith.constant -0.0747361481 : f32
        %mul3A_268 = vector.broadcast %mul3A_267 : f32 to vector<16xf32>
        %mul3A_269 = arith.mulf %mul3A_268, %exp3A : vector<16xf32>
        %add3A_270 = arith.constant 0.254622221 : f32
        %add3A_271 = vector.broadcast %add3A_270 : f32 to vector<16xf32>
        %add3A_272 = arith.addf %mul3A_269, %add3A_271 : vector<16xf32>
        %mul3A_273 = arith.mulf %add3A_272, %exp3A : vector<16xf32>
        %add3A_274 = arith.constant -0.486643076 : f32
        %add3A_275 = vector.broadcast %add3A_274 : f32 to vector<16xf32>
        %add3A_276 = arith.addf %mul3A_273, %add3A_275 : vector<16xf32>
        %mul3A_277 = arith.mulf %add3A_276, %exp3A : vector<16xf32>
        %add3A_278 = arith.constant 0.999620378 : f32
        %add3A_279 = vector.broadcast %add3A_278 : f32 to vector<16xf32>
        %add3A_280 = arith.addf %mul3A_277, %add3A_279 : vector<16xf32>
        %max3A = arith.constant 0.000000e+00 : f32
        %max3A_281 = vector.broadcast %max3A : f32 to vector<16xf32>
        %max3A_282 = arith.maximumf %get3A_263, %max3A_281 : vector<16xf32>
        %mul3A_283 = arith.mulf %exp3A, %add3A_280 : vector<16xf32>
        %add3A_284 = arith.addf %max3A_282, %mul3A_283 : vector<16xf32>
        %swap3A = arith.constant 2 : i32
        %swap3A_285 = arith.index_cast %swap3A : i32 to index
        %swap3A_286 = arith.index_cast %scan3A_257 : i32 to index
        %swap3A_287 = arith.constant 0 : index
        %swap3A_288 = tpu.vector_load %arg6[%swap3A_285, %swap3A_286, %swap3A_287] {strides = array<i32>} : memref<4x128x64xf32, #tpu.memory_space<vmem>>, vector<1x1x16xf32>,
        %swap3A_289 = vector.shape_cast %swap3A_288 : vector<1x1x16xf32> to vector<16xf32>
        %swap3A_290 = vector.shape_cast %add3A_284 : vector<16xf32> to vector<1x1x16xf32>
        tpu.vector_store %arg6[%swap3A_285, %swap3A_286, %swap3A_287], %swap3A_290 {strides = array<i32>} : memref<4x128x64xf32, #tpu.memory_space<vmem>>, vector<1x1x16xf32>,
        %get3A_291 = arith.constant 2 : i32
        %get3A_292 = arith.index_cast %get3A_291 : i32 to index
        %get3A_293 = arith.index_cast %scan3A_257 : i32 to index
        %get3A_294 = arith.constant 16 : index
        %get3A_295 = tpu.vector_load %arg6[%get3A_292, %get3A_293, %get3A_294] {strides = array<i32>} : memref<4x128x64xf32, #tpu.memory_space<vmem>>, vector<1x1x16xf32>,
        %get3A_296 = vector.shape_cast %get3A_295 : vector<1x1x16xf32> to vector<16xf32>
        %bitcast_convert_type3A_297 = tpu.bitcast %get3A_296 : vector<16xf32> -> vector<16xi32>
        %or3A_298 = arith.constant -2147483648 : i32
        %or3A_299 = vector.broadcast %or3A_298 : i32 to vector<16xi32>
        %or3A_300 = arith.ori %bitcast_convert_type3A_297, %or3A_299 : vector<16xi32>
        %bitcast_convert_type3A_301 = tpu.bitcast %or3A_300 : vector<16xi32> -> vector<16xf32>
        %exp3A_302 = math.exp %bitcast_convert_type3A_301 : vector<16xf32>
        %mul3A_303 = arith.constant -0.0747361481 : f32
        %mul3A_304 = vector.broadcast %mul3A_303 : f32 to vector<16xf32>
        %mul3A_305 = arith.mulf %mul3A_304, %exp3A_302 : vector<16xf32>
        %add3A_306 = arith.constant 0.254622221 : f32
        %add3A_307 = vector.broadcast %add3A_306 : f32 to vector<16xf32>
        %add3A_308 = arith.addf %mul3A_305, %add3A_307 : vector<16xf32>
        %mul3A_309 = arith.mulf %add3A_308, %exp3A_302 : vector<16xf32>
        %add3A_310 = arith.constant -0.486643076 : f32
        %add3A_311 = vector.broadcast %add3A_310 : f32 to vector<16xf32>
        %add3A_312 = arith.addf %mul3A_309, %add3A_311 : vector<16xf32>
        %mul3A_313 = arith.mulf %add3A_312, %exp3A_302 : vector<16xf32>
        %add3A_314 = arith.constant 0.999620378 : f32
        %add3A_315 = vector.broadcast %add3A_314 : f32 to vector<16xf32>
        %add3A_316 = arith.addf %mul3A_313, %add3A_315 : vector<16xf32>
        %max3A_317 = arith.constant 0.000000e+00 : f32
        %max3A_318 = vector.broadcast %max3A_317 : f32 to vector<16xf32>
        %max3A_319 = arith.maximumf %get3A_296, %max3A_318 : vector<16xf32>
        %mul3A_320 = arith.mulf %exp3A_302, %add3A_316 : vector<16xf32>
        %add3A_321 = arith.addf %max3A_319, %mul3A_320 : vector<16xf32>
        %swap3A_322 = arith.constant 2 : i32
        %swap3A_323 = arith.index_cast %swap3A_322 : i32 to index
        %swap3A_324 = arith.index_cast %scan3A_257 : i32 to index
        %swap3A_325 = arith.constant 16 : index
        %swap3A_326 = tpu.vector_load %arg6[%swap3A_323, %swap3A_324, %swap3A_325] {strides = array<i32>} : memref<4x128x64xf32, #tpu.memory_space<vmem>>, vector<1x1x16xf32>,
        %swap3A_327 = vector.shape_cast %swap3A_326 : vector<1x1x16xf32> to vector<16xf32>
        %swap3A_328 = vector.shape_cast %add3A_321 : vector<16xf32> to vector<1x1x16xf32>
        tpu.vector_store %arg6[%swap3A_323, %swap3A_324, %swap3A_325], %swap3A_328 {strides = array<i32>} : memref<4x128x64xf32, #tpu.memory_space<vmem>>, vector<1x1x16xf32>,
        %get3A_329 = arith.constant 2 : i32
        %get3A_330 = arith.index_cast %get3A_329 : i32 to index
        %get3A_331 = arith.index_cast %scan3A_257 : i32 to index
        %get3A_332 = arith.constant 32 : index
        %get3A_333 = tpu.vector_load %arg6[%get3A_330, %get3A_331, %get3A_332] {strides = array<i32>} : memref<4x128x64xf32, #tpu.memory_space<vmem>>, vector<1x1x16xf32>,
        %get3A_334 = vector.shape_cast %get3A_333 : vector<1x1x16xf32> to vector<16xf32>
        %bitcast_convert_type3A_335 = tpu.bitcast %get3A_334 : vector<16xf32> -> vector<16xi32>
        %or3A_336 = arith.constant -2147483648 : i32
        %or3A_337 = vector.broadcast %or3A_336 : i32 to vector<16xi32>
        %or3A_338 = arith.ori %bitcast_convert_type3A_335, %or3A_337 : vector<16xi32>
        %bitcast_convert_type3A_339 = tpu.bitcast %or3A_338 : vector<16xi32> -> vector<16xf32>
        %exp3A_340 = math.exp %bitcast_convert_type3A_339 : vector<16xf32>
        %mul3A_341 = arith.constant -0.0747361481 : f32
        %mul3A_342 = vector.broadcast %mul3A_341 : f32 to vector<16xf32>
        %mul3A_343 = arith.mulf %mul3A_342, %exp3A_340 : vector<16xf32>
        %add3A_344 = arith.constant 0.254622221 : f32
        %add3A_345 = vector.broadcast %add3A_344 : f32 to vector<16xf32>
        %add3A_346 = arith.addf %mul3A_343, %add3A_345 : vector<16xf32>
        %mul3A_347 = arith.mulf %add3A_346, %exp3A_340 : vector<16xf32>
        %add3A_348 = arith.constant -0.486643076 : f32
        %add3A_349 = vector.broadcast %add3A_348 : f32 to vector<16xf32>
        %add3A_350 = arith.addf %mul3A_347, %add3A_349 : vector<16xf32>
        %mul3A_351 = arith.mulf %add3A_350, %exp3A_340 : vector<16xf32>
        %add3A_352 = arith.constant 0.999620378 : f32
        %add3A_353 = vector.broadcast %add3A_352 : f32 to vector<16xf32>
        %add3A_354 = arith.addf %mul3A_351, %add3A_353 : vector<16xf32>
        %max3A_355 = arith.constant 0.000000e+00 : f32
        %max3A_356 = vector.broadcast %max3A_355 : f32 to vector<16xf32>
        %max3A_357 = arith.maximumf %get3A_334, %max3A_356 : vector<16xf32>
        %mul3A_358 = arith.mulf %exp3A_340, %add3A_354 : vector<16xf32>
        %add3A_359 = arith.addf %max3A_357, %mul3A_358 : vector<16xf32>
        %swap3A_360 = arith.constant 2 : i32
        %swap3A_361 = arith.index_cast %swap3A_360 : i32 to index
        %swap3A_362 = arith.index_cast %scan3A_257 : i32 to index
        %swap3A_363 = arith.constant 32 : index
        %swap3A_364 = tpu.vector_load %arg6[%swap3A_361, %swap3A_362, %swap3A_363] {strides = array<i32>} : memref<4x128x64xf32, #tpu.memory_space<vmem>>, vector<1x1x16xf32>,
        %swap3A_365 = vector.shape_cast %swap3A_364 : vector<1x1x16xf32> to vector<16xf32>
        %swap3A_366 = vector.shape_cast %add3A_359 : vector<16xf32> to vector<1x1x16xf32>
        tpu.vector_store %arg6[%swap3A_361, %swap3A_362, %swap3A_363], %swap3A_366 {strides = array<i32>} : memref<4x128x64xf32, #tpu.memory_space<vmem>>, vector<1x1x16xf32>,
        %get3A_367 = arith.constant 2 : i32
        %get3A_368 = arith.index_cast %get3A_367 : i32 to index
        %get3A_369 = arith.index_cast %scan3A_257 : i32 to index
        %get3A_370 = arith.constant 48 : index
        %get3A_371 = tpu.vector_load %arg6[%get3A_368, %get3A_369, %get3A_370] {strides = array<i32>} : memref<4x128x64xf32, #tpu.memory_space<vmem>>, vector<1x1x16xf32>,
        %get3A_372 = vector.shape_cast %get3A_371 : vector<1x1x16xf32> to vector<16xf32>
        %bitcast_convert_type3A_373 = tpu.bitcast %get3A_372 : vector<16xf32> -> vector<16xi32>
        %or3A_374 = arith.constant -2147483648 : i32
        %or3A_375 = vector.broadcast %or3A_374 : i32 to vector<16xi32>
        %or3A_376 = arith.ori %bitcast_convert_type3A_373, %or3A_375 : vector<16xi32>
        %bitcast_convert_type3A_377 = tpu.bitcast %or3A_376 : vector<16xi32> -> vector<16xf32>
        %exp3A_378 = math.exp %bitcast_convert_type3A_377 : vector<16xf32>
        %mul3A_379 = arith.constant -0.0747361481 : f32
        %mul3A_380 = vector.broadcast %mul3A_379 : f32 to vector<16xf32>
        %mul3A_381 = arith.mulf %mul3A_380, %exp3A_378 : vector<16xf32>
        %add3A_382 = arith.constant 0.254622221 : f32
        %add3A_383 = vector.broadcast %add3A_382 : f32 to vector<16xf32>
        %add3A_384 = arith.addf %mul3A_381, %add3A_383 : vector<16xf32>
        %mul3A_385 = arith.mulf %add3A_384, %exp3A_378 : vector<16xf32>
        %add3A_386 = arith.constant -0.486643076 : f32
        %add3A_387 = vector.broadcast %add3A_386 : f32 to vector<16xf32>
        %add3A_388 = arith.addf %mul3A_385, %add3A_387 : vector<16xf32>
        %mul3A_389 = arith.mulf %add3A_388, %exp3A_378 : vector<16xf32>
        %add3A_390 = arith.constant 0.999620378 : f32
        %add3A_391 = vector.broadcast %add3A_390 : f32 to vector<16xf32>
        %add3A_392 = arith.addf %mul3A_389, %add3A_391 : vector<16xf32>
        %max3A_393 = arith.constant 0.000000e+00 : f32
        %max3A_394 = vector.broadcast %max3A_393 : f32 to vector<16xf32>
        %max3A_395 = arith.maximumf %get3A_372, %max3A_394 : vector<16xf32>
        %mul3A_396 = arith.mulf %exp3A_378, %add3A_392 : vector<16xf32>
        %add3A_397 = arith.addf %max3A_395, %mul3A_396 : vector<16xf32>
        %swap3A_398 = arith.constant 2 : i32
        %swap3A_399 = arith.index_cast %swap3A_398 : i32 to index
        %swap3A_400 = arith.index_cast %scan3A_257 : i32 to index
        %swap3A_401 = arith.constant 48 : index
        %swap3A_402 = tpu.vector_load %arg6[%swap3A_399, %swap3A_400, %swap3A_401] {strides = array<i32>} : memref<4x128x64xf32, #tpu.memory_space<vmem>>, vector<1x1x16xf32>,
        %swap3A_403 = vector.shape_cast %swap3A_402 : vector<1x1x16xf32> to vector<16xf32>
        %swap3A_404 = vector.shape_cast %add3A_397 : vector<16xf32> to vector<1x1x16xf32>
        tpu.vector_store %arg6[%swap3A_399, %swap3A_400, %swap3A_401], %swap3A_404 {strides = array<i32>} : memref<4x128x64xf32, #tpu.memory_space<vmem>>, vector<1x1x16xf32>,
        %scan3A_405 = arith.constant 0 : i32
        scf.yield %scan3A_405 : i32
      }
      %scan3A_150 = arith.constant 128 : i32
      %add3A_151 = arith.constant 2 : i32
      %add3A_152 = arith.addi %mul3A_10, %add3A_151 : i32
      %mul3A_153 = arith.constant 128 : i32
      %mul3A_154 = arith.muli %add3A_152, %mul3A_153 : i32
      %add3A_155 = arith.addi %mul3A_2, %mul3A_154 : i32
      %dma_start3A_156 = arith.constant 2 : i32
      %dma_start3A_157 = arith.constant 0 : i32
      %dma_start3A_158 = arith.constant 0 : i32
      %dma_start3A_159 = tpu.memref_slice %arg6[%dma_start3A_156, %dma_start3A_157, %dma_start3A_158] : memref<4x128x64xf32, #tpu.memory_space<vmem>> -> memref<1x128x64xf32, #tpu.memory_space<vmem>>
      %dma_start3A_160 = tpu.memref_squeeze %dma_start3A_159 : memref<1x128x64xf32, #tpu.memory_space<vmem>> -> memref<128x64xf32, #tpu.memory_space<vmem>>
      %dma_start3A_161 = arith.constant 0 : i32
      %dma_start3A_162 = tpu.memref_slice %arg4[%add3A_155, %dma_start3A_161] : memref<819200x64xf32, #tpu.memory_space<hbm>> -> memref<128x64xf32, #tpu.memory_space<hbm>>
      %dma_start3A_163 = arith.constant 0 : i32
      %dma_start3A_164 = tpu.memref_slice %arg4[%add3A_155, %dma_start3A_163] : memref<819200x64xf32, #tpu.memory_space<hbm>> -> memref<128x64xf32, #tpu.memory_space<hbm>>
      %dma_start3A_165 = arith.constant 0 : i32
      %dma_start3A_166 = arith.constant 0 : i32
      %dma_start3A_167 = tpu.memref_slice %arg6[%dma_start3A_156, %dma_start3A_165, %dma_start3A_166] : memref<4x128x64xf32, #tpu.memory_space<vmem>> -> memref<1x128x64xf32, #tpu.memory_space<vmem>>
      %dma_start3A_168 = tpu.memref_squeeze %dma_start3A_167 : memref<1x128x64xf32, #tpu.memory_space<vmem>> -> memref<128x64xf32, #tpu.memory_space<vmem>>
      tpu.enqueue_dma source(%dma_start3A_168 : memref<128x64xf32, #tpu.memory_space<vmem>>) target(%dma_start3A_164 : memref<128x64xf32, #tpu.memory_space<hbm>>) target_semaphore(%arg8 : memref<!tpu.dma_semaphore, #tpu.memory_space<semaphore_mem>>)
      %dma_wait3A_169 = arith.constant 3 : i32
      %dma_wait3A_170 = arith.constant 0 : i32
      %dma_wait3A_171 = arith.constant 0 : i32
      %dma_wait3A_172 = tpu.memref_slice %arg6[%dma_wait3A_169, %dma_wait3A_170, %dma_wait3A_171] : memref<4x128x64xf32, #tpu.memory_space<vmem>> -> memref<1x128x64xf32, #tpu.memory_space<vmem>>
      %dma_wait3A_173 = tpu.memref_squeeze %dma_wait3A_172 : memref<1x128x64xf32, #tpu.memory_space<vmem>> -> memref<128x64xf32, #tpu.memory_space<vmem>>
      %dma_wait3A_174 = arith.constant 0 : i32
      %dma_wait3A_175 = tpu.memref_slice %arg5[%add3A_50, %dma_wait3A_174] : memref<200x128xi32, #tpu.memory_space<vmem>> -> memref<1x128xi32, #tpu.memory_space<vmem>>
      %dma_wait3A_176 = tpu.memref_squeeze %dma_wait3A_175 : memref<1x128xi32, #tpu.memory_space<vmem>> -> memref<128xi32, #tpu.memory_space<vmem>>
      %dma_wait3A_177 = arith.constant 0 : i32
      %dma_wait3A_178 = arith.constant 0 : i32
      %dma_wait3A_179 = tpu.memref_slice %arg3[%dma_wait3A_177, %dma_wait3A_178] : memref<1000000x64xf32, #tpu.memory_space<hbm>> -> memref<1000000x64xf32, #tpu.memory_space<hbm>>
      tpu.wait_indirect_dma semaphore(%arg7 : memref<!tpu.dma_semaphore, #tpu.memory_space<semaphore_mem>>) src(%dma_wait3A_179 : memref<1000000x64xf32, #tpu.memory_space<hbm>>) dst(%dma_wait3A_173 : memref<128x64xf32, #tpu.memory_space<vmem>>)
      %scan3A_180 = arith.constant 0 : i32
      %scan3A_181 = arith.constant 0 : i32
      %scan3A_182 = arith.constant 128 : i32
      %scan3A_183 = arith.addi %scan3A_181, %scan3A_182 : i32
      %scan3A_184 = arith.constant 1 : i32
      %scan3A_185 = scf.for %scan3A_257 = %scan3A_181 to %scan3A_183 step %scan3A_184 iter_args(%scan3A_258 = %scan3A_180) -> (i32)  : i32 {
        %get3A = arith.constant 3 : i32
        %get3A_259 = arith.index_cast %get3A : i32 to index
        %get3A_260 = arith.index_cast %scan3A_257 : i32 to index
        %get3A_261 = arith.constant 0 : index
        %get3A_262 = tpu.vector_load %arg6[%get3A_259, %get3A_260, %get3A_261] {strides = array<i32>} : memref<4x128x64xf32, #tpu.memory_space<vmem>>, vector<1x1x16xf32>,
        %get3A_263 = vector.shape_cast %get3A_262 : vector<1x1x16xf32> to vector<16xf32>
        %bitcast_convert_type3A = tpu.bitcast %get3A_263 : vector<16xf32> -> vector<16xi32>
        %or3A = arith.constant -2147483648 : i32
        %or3A_264 = vector.broadcast %or3A : i32 to vector<16xi32>
        %or3A_265 = arith.ori %bitcast_convert_type3A, %or3A_264 : vector<16xi32>
        %bitcast_convert_type3A_266 = tpu.bitcast %or3A_265 : vector<16xi32> -> vector<16xf32>
        %exp3A = math.exp %bitcast_convert_type3A_266 : vector<16xf32>
        %mul3A_267 = arith.constant -0.0747361481 : f32
        %mul3A_268 = vector.broadcast %mul3A_267 : f32 to vector<16xf32>
        %mul3A_269 = arith.mulf %mul3A_268, %exp3A : vector<16xf32>
        %add3A_270 = arith.constant 0.254622221 : f32
        %add3A_271 = vector.broadcast %add3A_270 : f32 to vector<16xf32>
        %add3A_272 = arith.addf %mul3A_269, %add3A_271 : vector<16xf32>
        %mul3A_273 = arith.mulf %add3A_272, %exp3A : vector<16xf32>
        %add3A_274 = arith.constant -0.486643076 : f32
        %add3A_275 = vector.broadcast %add3A_274 : f32 to vector<16xf32>
        %add3A_276 = arith.addf %mul3A_273, %add3A_275 : vector<16xf32>
        %mul3A_277 = arith.mulf %add3A_276, %exp3A : vector<16xf32>
        %add3A_278 = arith.constant 0.999620378 : f32
        %add3A_279 = vector.broadcast %add3A_278 : f32 to vector<16xf32>
        %add3A_280 = arith.addf %mul3A_277, %add3A_279 : vector<16xf32>
        %max3A = arith.constant 0.000000e+00 : f32
        %max3A_281 = vector.broadcast %max3A : f32 to vector<16xf32>
        %max3A_282 = arith.maximumf %get3A_263, %max3A_281 : vector<16xf32>
        %mul3A_283 = arith.mulf %exp3A, %add3A_280 : vector<16xf32>
        %add3A_284 = arith.addf %max3A_282, %mul3A_283 : vector<16xf32>
        %swap3A = arith.constant 3 : i32
        %swap3A_285 = arith.index_cast %swap3A : i32 to index
        %swap3A_286 = arith.index_cast %scan3A_257 : i32 to index
        %swap3A_287 = arith.constant 0 : index
        %swap3A_288 = tpu.vector_load %arg6[%swap3A_285, %swap3A_286, %swap3A_287] {strides = array<i32>} : memref<4x128x64xf32, #tpu.memory_space<vmem>>, vector<1x1x16xf32>,
        %swap3A_289 = vector.shape_cast %swap3A_288 : vector<1x1x16xf32> to vector<16xf32>
        %swap3A_290 = vector.shape_cast %add3A_284 : vector<16xf32> to vector<1x1x16xf32>
        tpu.vector_store %arg6[%swap3A_285, %swap3A_286, %swap3A_287], %swap3A_290 {strides = array<i32>} : memref<4x128x64xf32, #tpu.memory_space<vmem>>, vector<1x1x16xf32>,
        %get3A_291 = arith.constant 3 : i32
        %get3A_292 = arith.index_cast %get3A_291 : i32 to index
        %get3A_293 = arith.index_cast %scan3A_257 : i32 to index
        %get3A_294 = arith.constant 16 : index
        %get3A_295 = tpu.vector_load %arg6[%get3A_292, %get3A_293, %get3A_294] {strides = array<i32>} : memref<4x128x64xf32, #tpu.memory_space<vmem>>, vector<1x1x16xf32>,
        %get3A_296 = vector.shape_cast %get3A_295 : vector<1x1x16xf32> to vector<16xf32>
        %bitcast_convert_type3A_297 = tpu.bitcast %get3A_296 : vector<16xf32> -> vector<16xi32>
        %or3A_298 = arith.constant -2147483648 : i32
        %or3A_299 = vector.broadcast %or3A_298 : i32 to vector<16xi32>
        %or3A_300 = arith.ori %bitcast_convert_type3A_297, %or3A_299 : vector<16xi32>
        %bitcast_convert_type3A_301 = tpu.bitcast %or3A_300 : vector<16xi32> -> vector<16xf32>
        %exp3A_302 = math.exp %bitcast_convert_type3A_301 : vector<16xf32>
        %mul3A_303 = arith.constant -0.0747361481 : f32
        %mul3A_304 = vector.broadcast %mul3A_303 : f32 to vector<16xf32>
        %mul3A_305 = arith.mulf %mul3A_304, %exp3A_302 : vector<16xf32>
        %add3A_306 = arith.constant 0.254622221 : f32
        %add3A_307 = vector.broadcast %add3A_306 : f32 to vector<16xf32>
        %add3A_308 = arith.addf %mul3A_305, %add3A_307 : vector<16xf32>
        %mul3A_309 = arith.mulf %add3A_308, %exp3A_302 : vector<16xf32>
        %add3A_310 = arith.constant -0.486643076 : f32
        %add3A_311 = vector.broadcast %add3A_310 : f32 to vector<16xf32>
        %add3A_312 = arith.addf %mul3A_309, %add3A_311 : vector<16xf32>
        %mul3A_313 = arith.mulf %add3A_312, %exp3A_302 : vector<16xf32>
        %add3A_314 = arith.constant 0.999620378 : f32
        %add3A_315 = vector.broadcast %add3A_314 : f32 to vector<16xf32>
        %add3A_316 = arith.addf %mul3A_313, %add3A_315 : vector<16xf32>
        %max3A_317 = arith.constant 0.000000e+00 : f32
        %max3A_318 = vector.broadcast %max3A_317 : f32 to vector<16xf32>
        %max3A_319 = arith.maximumf %get3A_296, %max3A_318 : vector<16xf32>
        %mul3A_320 = arith.mulf %exp3A_302, %add3A_316 : vector<16xf32>
        %add3A_321 = arith.addf %max3A_319, %mul3A_320 : vector<16xf32>
        %swap3A_322 = arith.constant 3 : i32
        %swap3A_323 = arith.index_cast %swap3A_322 : i32 to index
        %swap3A_324 = arith.index_cast %scan3A_257 : i32 to index
        %swap3A_325 = arith.constant 16 : index
        %swap3A_326 = tpu.vector_load %arg6[%swap3A_323, %swap3A_324, %swap3A_325] {strides = array<i32>} : memref<4x128x64xf32, #tpu.memory_space<vmem>>, vector<1x1x16xf32>,
        %swap3A_327 = vector.shape_cast %swap3A_326 : vector<1x1x16xf32> to vector<16xf32>
        %swap3A_328 = vector.shape_cast %add3A_321 : vector<16xf32> to vector<1x1x16xf32>
        tpu.vector_store %arg6[%swap3A_323, %swap3A_324, %swap3A_325], %swap3A_328 {strides = array<i32>} : memref<4x128x64xf32, #tpu.memory_space<vmem>>, vector<1x1x16xf32>,
        %get3A_329 = arith.constant 3 : i32
        %get3A_330 = arith.index_cast %get3A_329 : i32 to index
        %get3A_331 = arith.index_cast %scan3A_257 : i32 to index
        %get3A_332 = arith.constant 32 : index
        %get3A_333 = tpu.vector_load %arg6[%get3A_330, %get3A_331, %get3A_332] {strides = array<i32>} : memref<4x128x64xf32, #tpu.memory_space<vmem>>, vector<1x1x16xf32>,
        %get3A_334 = vector.shape_cast %get3A_333 : vector<1x1x16xf32> to vector<16xf32>
        %bitcast_convert_type3A_335 = tpu.bitcast %get3A_334 : vector<16xf32> -> vector<16xi32>
        %or3A_336 = arith.constant -2147483648 : i32
        %or3A_337 = vector.broadcast %or3A_336 : i32 to vector<16xi32>
        %or3A_338 = arith.ori %bitcast_convert_type3A_335, %or3A_337 : vector<16xi32>
        %bitcast_convert_type3A_339 = tpu.bitcast %or3A_338 : vector<16xi32> -> vector<16xf32>
        %exp3A_340 = math.exp %bitcast_convert_type3A_339 : vector<16xf32>
        %mul3A_341 = arith.constant -0.0747361481 : f32
        %mul3A_342 = vector.broadcast %mul3A_341 : f32 to vector<16xf32>
        %mul3A_343 = arith.mulf %mul3A_342, %exp3A_340 : vector<16xf32>
        %add3A_344 = arith.constant 0.254622221 : f32
        %add3A_345 = vector.broadcast %add3A_344 : f32 to vector<16xf32>
        %add3A_346 = arith.addf %mul3A_343, %add3A_345 : vector<16xf32>
        %mul3A_347 = arith.mulf %add3A_346, %exp3A_340 : vector<16xf32>
        %add3A_348 = arith.constant -0.486643076 : f32
        %add3A_349 = vector.broadcast %add3A_348 : f32 to vector<16xf32>
        %add3A_350 = arith.addf %mul3A_347, %add3A_349 : vector<16xf32>
        %mul3A_351 = arith.mulf %add3A_350, %exp3A_340 : vector<16xf32>
        %add3A_352 = arith.constant 0.999620378 : f32
        %add3A_353 = vector.broadcast %add3A_352 : f32 to vector<16xf32>
        %add3A_354 = arith.addf %mul3A_351, %add3A_353 : vector<16xf32>
        %max3A_355 = arith.constant 0.000000e+00 : f32
        %max3A_356 = vector.broadcast %max3A_355 : f32 to vector<16xf32>
        %max3A_357 = arith.maximumf %get3A_334, %max3A_356 : vector<16xf32>
        %mul3A_358 = arith.mulf %exp3A_340, %add3A_354 : vector<16xf32>
        %add3A_359 = arith.addf %max3A_357, %mul3A_358 : vector<16xf32>
        %swap3A_360 = arith.constant 3 : i32
        %swap3A_361 = arith.index_cast %swap3A_360 : i32 to index
        %swap3A_362 = arith.index_cast %scan3A_257 : i32 to index
        %swap3A_363 = arith.constant 32 : index
        %swap3A_364 = tpu.vector_load %arg6[%swap3A_361, %swap3A_362, %swap3A_363] {strides = array<i32>} : memref<4x128x64xf32, #tpu.memory_space<vmem>>, vector<1x1x16xf32>,
        %swap3A_365 = vector.shape_cast %swap3A_364 : vector<1x1x16xf32> to vector<16xf32>
        %swap3A_366 = vector.shape_cast %add3A_359 : vector<16xf32> to vector<1x1x16xf32>
        tpu.vector_store %arg6[%swap3A_361, %swap3A_362, %swap3A_363], %swap3A_366 {strides = array<i32>} : memref<4x128x64xf32, #tpu.memory_space<vmem>>, vector<1x1x16xf32>,
        %get3A_367 = arith.constant 3 : i32
        %get3A_368 = arith.index_cast %get3A_367 : i32 to index
        %get3A_369 = arith.index_cast %scan3A_257 : i32 to index
        %get3A_370 = arith.constant 48 : index
        %get3A_371 = tpu.vector_load %arg6[%get3A_368, %get3A_369, %get3A_370] {strides = array<i32>} : memref<4x128x64xf32, #tpu.memory_space<vmem>>, vector<1x1x16xf32>,
        %get3A_372 = vector.shape_cast %get3A_371 : vector<1x1x16xf32> to vector<16xf32>
        %bitcast_convert_type3A_373 = tpu.bitcast %get3A_372 : vector<16xf32> -> vector<16xi32>
        %or3A_374 = arith.constant -2147483648 : i32
        %or3A_375 = vector.broadcast %or3A_374 : i32 to vector<16xi32>
        %or3A_376 = arith.ori %bitcast_convert_type3A_373, %or3A_375 : vector<16xi32>
        %bitcast_convert_type3A_377 = tpu.bitcast %or3A_376 : vector<16xi32> -> vector<16xf32>
        %exp3A_378 = math.exp %bitcast_convert_type3A_377 : vector<16xf32>
        %mul3A_379 = arith.constant -0.0747361481 : f32
        %mul3A_380 = vector.broadcast %mul3A_379 : f32 to vector<16xf32>
        %mul3A_381 = arith.mulf %mul3A_380, %exp3A_378 : vector<16xf32>
        %add3A_382 = arith.constant 0.254622221 : f32
        %add3A_383 = vector.broadcast %add3A_382 : f32 to vector<16xf32>
        %add3A_384 = arith.addf %mul3A_381, %add3A_383 : vector<16xf32>
        %mul3A_385 = arith.mulf %add3A_384, %exp3A_378 : vector<16xf32>
        %add3A_386 = arith.constant -0.486643076 : f32
        %add3A_387 = vector.broadcast %add3A_386 : f32 to vector<16xf32>
        %add3A_388 = arith.addf %mul3A_385, %add3A_387 : vector<16xf32>
        %mul3A_389 = arith.mulf %add3A_388, %exp3A_378 : vector<16xf32>
        %add3A_390 = arith.constant 0.999620378 : f32
        %add3A_391 = vector.broadcast %add3A_390 : f32 to vector<16xf32>
        %add3A_392 = arith.addf %mul3A_389, %add3A_391 : vector<16xf32>
        %max3A_393 = arith.constant 0.000000e+00 : f32
        %max3A_394 = vector.broadcast %max3A_393 : f32 to vector<16xf32>
        %max3A_395 = arith.maximumf %get3A_372, %max3A_394 : vector<16xf32>
        %mul3A_396 = arith.mulf %exp3A_378, %add3A_392 : vector<16xf32>
        %add3A_397 = arith.addf %max3A_395, %mul3A_396 : vector<16xf32>
        %swap3A_398 = arith.constant 3 : i32
        %swap3A_399 = arith.index_cast %swap3A_398 : i32 to index
        %swap3A_400 = arith.index_cast %scan3A_257 : i32 to index
        %swap3A_401 = arith.constant 48 : index
        %swap3A_402 = tpu.vector_load %arg6[%swap3A_399, %swap3A_400, %swap3A_401] {strides = array<i32>} : memref<4x128x64xf32, #tpu.memory_space<vmem>>, vector<1x1x16xf32>,
        %swap3A_403 = vector.shape_cast %swap3A_402 : vector<1x1x16xf32> to vector<16xf32>
        %swap3A_404 = vector.shape_cast %add3A_397 : vector<16xf32> to vector<1x1x16xf32>
        tpu.vector_store %arg6[%swap3A_399, %swap3A_400, %swap3A_401], %swap3A_404 {strides = array<i32>} : memref<4x128x64xf32, #tpu.memory_space<vmem>>, vector<1x1x16xf32>,
        %scan3A_405 = arith.constant 0 : i32
        scf.yield %scan3A_405 : i32
      }
      %scan3A_186 = arith.constant 128 : i32
      %add3A_187 = arith.constant 3 : i32
      %add3A_188 = arith.addi %mul3A_10, %add3A_187 : i32
      %mul3A_189 = arith.constant 128 : i32
      %mul3A_190 = arith.muli %add3A_188, %mul3A_189 : i32
      %add3A_191 = arith.addi %mul3A_2, %mul3A_190 : i32
      %dma_start3A_192 = arith.constant 3 : i32
      %dma_start3A_193 = arith.constant 0 : i32
      %dma_start3A_194 = arith.constant 0 : i32
      %dma_start3A_195 = tpu.memref_slice %arg6[%dma_start3A_192, %dma_start3A_193, %dma_start3A_194] : memref<4x128x64xf32, #tpu.memory_space<vmem>> -> memref<1x128x64xf32, #tpu.memory_space<vmem>>
      %dma_start3A_196 = tpu.memref_squeeze %dma_start3A_195 : memref<1x128x64xf32, #tpu.memory_space<vmem>> -> memref<128x64xf32, #tpu.memory_space<vmem>>
      %dma_start3A_197 = arith.constant 0 : i32
      %dma_start3A_198 = tpu.memref_slice %arg4[%add3A_191, %dma_start3A_197] : memref<819200x64xf32, #tpu.memory_space<hbm>> -> memref<128x64xf32, #tpu.memory_space<hbm>>
      %dma_start3A_199 = arith.constant 0 : i32
      %dma_start3A_200 = tpu.memref_slice %arg4[%add3A_191, %dma_start3A_199] : memref<819200x64xf32, #tpu.memory_space<hbm>> -> memref<128x64xf32, #tpu.memory_space<hbm>>
      %dma_start3A_201 = arith.constant 0 : i32
      %dma_start3A_202 = arith.constant 0 : i32
      %dma_start3A_203 = tpu.memref_slice %arg6[%dma_start3A_192, %dma_start3A_201, %dma_start3A_202] : memref<4x128x64xf32, #tpu.memory_space<vmem>> -> memref<1x128x64xf32, #tpu.memory_space<vmem>>
      %dma_start3A_204 = tpu.memref_squeeze %dma_start3A_203 : memref<1x128x64xf32, #tpu.memory_space<vmem>> -> memref<128x64xf32, #tpu.memory_space<vmem>>
      tpu.enqueue_dma source(%dma_start3A_204 : memref<128x64xf32, #tpu.memory_space<vmem>>) target(%dma_start3A_200 : memref<128x64xf32, #tpu.memory_space<hbm>>) target_semaphore(%arg8 : memref<!tpu.dma_semaphore, #tpu.memory_space<semaphore_mem>>)
      %dma_wait3A_205 = arith.constant 0 : i32
      %dma_wait3A_206 = arith.constant 0 : i32
      %dma_wait3A_207 = arith.constant 0 : i32
      %dma_wait3A_208 = tpu.memref_slice %arg6[%dma_wait3A_205, %dma_wait3A_206, %dma_wait3A_207] : memref<4x128x64xf32, #tpu.memory_space<vmem>> -> memref<1x128x64xf32, #tpu.memory_space<vmem>>
      %dma_wait3A_209 = tpu.memref_squeeze %dma_wait3A_208 : memref<1x128x64xf32, #tpu.memory_space<vmem>> -> memref<128x64xf32, #tpu.memory_space<vmem>>
      %dma_wait3A_210 = arith.constant 0 : i32
      %dma_wait3A_211 = tpu.memref_slice %arg4[%add3A_83, %dma_wait3A_210] : memref<819200x64xf32, #tpu.memory_space<hbm>> -> memref<128x64xf32, #tpu.memory_space<hbm>>
      %dma_wait3A_212 = arith.constant 0 : i32
      %dma_wait3A_213 = tpu.memref_slice %arg4[%add3A_83, %dma_wait3A_212] : memref<819200x64xf32, #tpu.memory_space<hbm>> -> memref<128x64xf32, #tpu.memory_space<hbm>>
      %dma_wait3A_214 = arith.constant 0 : i32
      %dma_wait3A_215 = arith.constant 0 : i32
      %dma_wait3A_216 = tpu.memref_slice %arg6[%dma_wait3A_205, %dma_wait3A_214, %dma_wait3A_215] : memref<4x128x64xf32, #tpu.memory_space<vmem>> -> memref<1x128x64xf32, #tpu.memory_space<vmem>>
      %dma_wait3A_217 = tpu.memref_squeeze %dma_wait3A_216 : memref<1x128x64xf32, #tpu.memory_space<vmem>> -> memref<128x64xf32, #tpu.memory_space<vmem>>
      tpu.wait_dma2 semaphore(%arg8 : memref<!tpu.dma_semaphore, #tpu.memory_space<semaphore_mem>>) src(%dma_wait3A_217 : memref<128x64xf32, #tpu.memory_space<vmem>>) dst(%dma_wait3A_213 : memref<128x64xf32, #tpu.memory_space<hbm>>)
      %dma_wait3A_218 = arith.constant 1 : i32
      %dma_wait3A_219 = arith.constant 0 : i32
      %dma_wait3A_220 = arith.constant 0 : i32
      %dma_wait3A_221 = tpu.memref_slice %arg6[%dma_wait3A_218, %dma_wait3A_219, %dma_wait3A_220] : memref<4x128x64xf32, #tpu.memory_space<vmem>> -> memref<1x128x64xf32, #tpu.memory_space<vmem>>
      %dma_wait3A_222 = tpu.memref_squeeze %dma_wait3A_221 : memref<1x128x64xf32, #tpu.memory_space<vmem>> -> memref<128x64xf32, #tpu.memory_space<vmem>>
      %dma_wait3A_223 = arith.constant 0 : i32
      %dma_wait3A_224 = tpu.memref_slice %arg4[%add3A_119, %dma_wait3A_223] : memref<819200x64xf32, #tpu.memory_space<hbm>> -> memref<128x64xf32, #tpu.memory_space<hbm>>
      %dma_wait3A_225 = arith.constant 0 : i32
      %dma_wait3A_226 = tpu.memref_slice %arg4[%add3A_119, %dma_wait3A_225] : memref<819200x64xf32, #tpu.memory_space<hbm>> -> memref<128x64xf32, #tpu.memory_space<hbm>>
      %dma_wait3A_227 = arith.constant 0 : i32
      %dma_wait3A_228 = arith.constant 0 : i32
      %dma_wait3A_229 = tpu.memref_slice %arg6[%dma_wait3A_218, %dma_wait3A_227, %dma_wait3A_228] : memref<4x128x64xf32, #tpu.memory_space<vmem>> -> memref<1x128x64xf32, #tpu.memory_space<vmem>>
      %dma_wait3A_230 = tpu.memref_squeeze %dma_wait3A_229 : memref<1x128x64xf32, #tpu.memory_space<vmem>> -> memref<128x64xf32, #tpu.memory_space<vmem>>
      tpu.wait_dma2 semaphore(%arg8 : memref<!tpu.dma_semaphore, #tpu.memory_space<semaphore_mem>>) src(%dma_wait3A_230 : memref<128x64xf32, #tpu.memory_space<vmem>>) dst(%dma_wait3A_226 : memref<128x64xf32, #tpu.memory_space<hbm>>)
      %dma_wait3A_231 = arith.constant 2 : i32
      %dma_wait3A_232 = arith.constant 0 : i32
      %dma_wait3A_233 = arith.constant 0 : i32
      %dma_wait3A_234 = tpu.memref_slice %arg6[%dma_wait3A_231, %dma_wait3A_232, %dma_wait3A_233] : memref<4x128x64xf32, #tpu.memory_space<vmem>> -> memref<1x128x64xf32, #tpu.memory_space<vmem>>
      %dma_wait3A_235 = tpu.memref_squeeze %dma_wait3A_234 : memref<1x128x64xf32, #tpu.memory_space<vmem>> -> memref<128x64xf32, #tpu.memory_space<vmem>>
      %dma_wait3A_236 = arith.constant 0 : i32
      %dma_wait3A_237 = tpu.memref_slice %arg4[%add3A_155, %dma_wait3A_236] : memref<819200x64xf32, #tpu.memory_space<hbm>> -> memref<128x64xf32, #tpu.memory_space<hbm>>
      %dma_wait3A_238 = arith.constant 0 : i32
      %dma_wait3A_239 = tpu.memref_slice %arg4[%add3A_155, %dma_wait3A_238] : memref<819200x64xf32, #tpu.memory_space<hbm>> -> memref<128x64xf32, #tpu.memory_space<hbm>>
      %dma_wait3A_240 = arith.constant 0 : i32
      %dma_wait3A_241 = arith.constant 0 : i32
      %dma_wait3A_242 = tpu.memref_slice %arg6[%dma_wait3A_231, %dma_wait3A_240, %dma_wait3A_241] : memref<4x128x64xf32, #tpu.memory_space<vmem>> -> memref<1x128x64xf32, #tpu.memory_space<vmem>>
      %dma_wait3A_243 = tpu.memref_squeeze %dma_wait3A_242 : memref<1x128x64xf32, #tpu.memory_space<vmem>> -> memref<128x64xf32, #tpu.memory_space<vmem>>
      tpu.wait_dma2 semaphore(%arg8 : memref<!tpu.dma_semaphore, #tpu.memory_space<semaphore_mem>>) src(%dma_wait3A_243 : memref<128x64xf32, #tpu.memory_space<vmem>>) dst(%dma_wait3A_239 : memref<128x64xf32, #tpu.memory_space<hbm>>)
      %dma_wait3A_244 = arith.constant 3 : i32
      %dma_wait3A_245 = arith.constant 0 : i32
      %dma_wait3A_246 = arith.constant 0 : i32
      %dma_wait3A_247 = tpu.memref_slice %arg6[%dma_wait3A_244, %dma_wait3A_245, %dma_wait3A_246] : memref<4x128x64xf32, #tpu.memory_space<vmem>> -> memref<1x128x64xf32, #tpu.memory_space<vmem>>
      %dma_wait3A_248 = tpu.memref_squeeze %dma_wait3A_247 : memref<1x128x64xf32, #tpu.memory_space<vmem>> -> memref<128x64xf32, #tpu.memory_space<vmem>>
      %dma_wait3A_249 = arith.constant 0 : i32
      %dma_wait3A_250 = tpu.memref_slice %arg4[%add3A_191, %dma_wait3A_249] : memref<819200x64xf32, #tpu.memory_space<hbm>> -> memref<128x64xf32, #tpu.memory_space<hbm>>
      %dma_wait3A_251 = arith.constant 0 : i32
      %dma_wait3A_252 = tpu.memref_slice %arg4[%add3A_191, %dma_wait3A_251] : memref<819200x64xf32, #tpu.memory_space<hbm>> -> memref<128x64xf32, #tpu.memory_space<hbm>>
      %dma_wait3A_253 = arith.constant 0 : i32
      %dma_wait3A_254 = arith.constant 0 : i32
      %dma_wait3A_255 = tpu.memref_slice %arg6[%dma_wait3A_244, %dma_wait3A_253, %dma_wait3A_254] : memref<4x128x64xf32, #tpu.memory_space<vmem>> -> memref<1x128x64xf32, #tpu.memory_space<vmem>>
      %dma_wait3A_256 = tpu.memref_squeeze %dma_wait3A_255 : memref<1x128x64xf32, #tpu.memory_space<vmem>> -> memref<128x64xf32, #tpu.memory_space<vmem>>
      tpu.wait_dma2 semaphore(%arg8 : memref<!tpu.dma_semaphore, #tpu.memory_space<semaphore_mem>>) src(%dma_wait3A_256 : memref<128x64xf32, #tpu.memory_space<vmem>>) dst(%dma_wait3A_252 : memref<128x64xf32, #tpu.memory_space<hbm>>)
    }
    %scan3A_7 = arith.constant 50 : i32
    return
  }
}

</mosaic_0001>

<sc_bundles>
// kernel: kernel.3.cloned.1.call-start
scs
__scs_entry_jumppad:
0x0: {  	(pc) =	sbr.rel $0x88, $3  }
0x1: {  	(tag) =	ssettag $0x0;
	lr =	simm.s32 $0x1  }
0x2: {  	[smem:$0x3F9F] =	sst lr;
	_ =	strace $0xD0000000  }
0x3: {  	_ = 	snop  }
0x4: {  	_ = 	snop  }
0x5: {  	_ = 	snop  }
0x6: {  	_ = 	snop  }
0x7: {  	_ = 	snop  }
__scs_overlays_trampoline_lowered:
0x8: {  	[smem:$0x3FAE] =	sst s0  }
0x9: {  	[smem:$0x3FAF] =	sst s1  }
0xa: {  	[smem:$0x3FB0] =	sst s2  }
0xb: {  	[smem:$0x3FB1] =	sst s3  }
0xc: {  	[smem:$0x3FB2] =	sst s4  }
0xd: {  	[smem:$0x3FB3] =	sst s5  }
0xe: {  	[smem:$0x3FB4] =	sst s6  }
0xf: {  	[smem:$0x3FB5] =	sst s7  }
0x10: {  	[smem:$0x3FB6] =	sst s8  }
0x11: {  	[smem:$0x3FB7] =	sst s9;
	s0 =	simm.s32 @!p0 $0x0  }
0x12: {  	s1 =	sld [smem:$0x3F9D];
	s0 =	simm.s32 @p0 $0x1  }
0x13: {  	[smem:$0x3FB8] =	sst s0;
	s0 =	simm.s32 @!p1 $0x0  }
0x14: {  	s2 =	sld [smem:$0x3F9C];
	s0 =	simm.s32 @p1 $0x1  }
0x15: {  	[smem:$0x3FB9] =	sst s0;
	s0 =	simm.s32 @!p2 $0x0  }
0x16: {  	s3 =	sld [smem:$0x3FDB];
	s0 =	simm.s32 @p2 $0x1  }
0x17: {  	s4 =	simm.s32 $0x1BF5;
	[smem:$0x3FBB] =	sst s0  }
0x18: {  	s0 =	sld [smem:$0x3F9E];
	_ =	swait.ge [sflag:s4], $0x0  }
0x19: {  	s7 =	sld [smem:$0x3F9F]  }
0x1a: {  	s8 =	sadd.s32 $0xFFFFE003, lr  }
0x1b: {  	s9 =	sadd.s32 $0xFFFFFEF7, lr;
	s5 =	simm.s32 $0xFFFFFFFF;
	p2 =	slt.u32 s8, $0xFFFFF086  }
0x1c: {  	p1 =	slt.u32 s9, $0xF7A;
	s5 =	simm.s32 @!p2 $0x0  }
0x1d: {  	s5 =	simm.s32 @p1 $0x1;
	p0 =	seq.s32 s7, s2  }
0x1e: {  	s7 =	smul.u32 @!p0 $0xF7A, s2;
	p2 =	seq.s32 @!p0 s5, $0x0  }
0x1f: {  	s9 =	smul.u32 $0xF7A, s1;
	s8 =	simm.s32 @!p0 $0x1BF5;
	p2 =	por !p2, p0  }
0x20: {  	[sflag:s8] =	ssyncset.s32 @!p0 $0xFFFFF086;
	s6 =	sadd.s32 @!p0 s3, s7;
	s7 =	simm.s32 @!p0 $0x108  }
0x21: {  	s3 =	sadd.s32 s3, s9;
	s6 =	sadd.s32 @!p0 $0x88, s6;
	s7 =	simm.s32 @p2 $0x1082  }
0x22: {  	[simem:s7], [sflag:s8] =	dma.local @!p0 [hbm:s6], $0xF7A  }
0x23: {  	s9 =	sor.u32 $0xD0000000, s2;
	s6 =	simm.s32 $0x108;
	_ =	swait.ge @!p0 [sflag:s8], $0x0  }
0x24: {  	s3 =	sadd.s32 $0x88, s3;
	s6 =	simm.s32 @!p1 $0x1082;
	[sflag:s4] =	ssyncset.s32 $0xFFFFF086  }
0x25: {  	[simem:s6], [sflag:s4] =	dma.local [hbm:s3], $0xF7A  }
0x26: {  	[smem:$0x3F9F] =	sst s1;
	(tag) =	ssettag s2;
	_ =	strace s9  }
0x27: {  	s1 =	sld [smem:$0x3FAF]  }
0x28: {  	s2 =	sld [smem:$0x3FB0]  }
0x29: {  	s4 =	sld [smem:$0x3FB2]  }
0x2a: {  	p0 =	seq.s32 s5, $0x0;
	s5 =	sld [smem:$0x3FB3]  }
0x2b: {  	s6 =	sld [smem:$0x3FB4]  }
0x2c: {  	s7 =	sld [smem:$0x3FB5]  }
0x2d: {  	s3 =	simm.s32 $0x108;
	s8 =	sld [smem:$0x3FB6]  }
0x2e: {  	s3 =	simm.s32 @!p0 $0x1082;
	s9 =	sld [smem:$0x3FB7]  }
0x2f: {  	lr =	sadd.s32 s0, s3;
	s0 =	sld [smem:$0x3FAE]  }
0x30: {  	s3 =	sld [smem:$0x3FB1]  }
0x31: {  	[smem:$0x3FBA] =	sst s10  }
0x32: {  	s10 =	sld [smem:$0x3FB8];
	_ =	sdelay $0x3  }
0x33: {  	p0 =	seq.s32 s10, $0x1;
	s10 =	sld [smem:$0x3FBA];
	_ =	sdelay $0x3  }
0x34: {  	[smem:$0x3FBA] =	sst s10  }
0x35: {  	s10 =	sld [smem:$0x3FB9];
	_ =	sdelay $0x3  }
0x36: {  	p1 =	seq.s32 s10, $0x1;
	s10 =	sld [smem:$0x3FBA];
	_ =	sdelay $0x3  }
0x37: {  	[smem:$0x3FBA] =	sst s10  }
0x38: {  	s10 =	sld [smem:$0x3FBB]  }
0x39: {  	_ = 	snop;
	(pc) =	sbr.ind lr, $3  }
0x3a: {  	_ = 	snop  }
0x3b: {  	_ = 	snop  }
0x3c: {  	p2 =	seq.s32 s10, $0x1;
	s10 =	sld [smem:$0x3FBA]  }
0x3d: {  	_ =	shalt  }
0x3e: {  	_ =	shalt  }
0x3f: {  	_ =	shalt  }
0x40: {  	_ =	shalt  }
0x41: {  	_ =	shalt  }
0x42: {  	_ =	shalt  }
0x43: {  	_ =	shalt  }
0x44: {  	_ =	shalt  }
0x45: {  	_ =	shalt  }
0x46: {  	_ =	shalt  }
0x47: {  	_ =	shalt  }
0x48: {  	_ =	shalt  }
0x49: {  	_ =	shalt  }
0x4a: {  	_ =	shalt  }
0x4b: {  	_ =	shalt  }
0x4c: {  	_ =	shalt  }
0x4d: {  	_ =	shalt  }
0x4e: {  	_ =	shalt  }
0x4f: {  	_ =	shalt  }
0x50: {  	_ =	shalt  }
0x51: {  	_ =	shalt  }
0x52: {  	_ =	shalt  }
0x53: {  	_ =	shalt  }
0x54: {  	_ =	shalt  }
0x55: {  	_ =	shalt  }
0x56: {  	_ =	shalt  }
0x57: {  	_ =	shalt  }
0x58: {  	_ =	shalt  }
0x59: {  	_ =	shalt  }
0x5a: {  	_ =	shalt  }
0x5b: {  	_ =	shalt  }
0x5c: {  	_ =	shalt  }
0x5d: {  	_ =	shalt  }
0x5e: {  	_ =	shalt  }
0x5f: {  	_ =	shalt  }
0x60: {  	_ =	shalt  }
0x61: {  	_ =	shalt  }
0x62: {  	_ =	shalt  }
0x63: {  	_ =	shalt  }
0x64: {  	_ =	shalt  }
0x65: {  	_ =	shalt  }
0x66: {  	_ =	shalt  }
0x67: {  	_ =	shalt  }
0x68: {  	_ =	shalt  }
0x69: {  	_ =	shalt  }
0x6a: {  	_ =	shalt  }
0x6b: {  	_ =	shalt  }
0x6c: {  	_ =	shalt  }
0x6d: {  	_ =	shalt  }
0x6e: {  	_ =	shalt  }
0x6f: {  	_ =	shalt  }
0x70: {  	_ =	shalt  }
0x71: {  	_ =	shalt  }
0x72: {  	_ =	shalt  }
0x73: {  	_ =	shalt  }
0x74: {  	_ =	shalt  }
0x75: {  	_ =	shalt  }
0x76: {  	_ =	shalt  }
0x77: {  	_ =	shalt  }
0x78: {  	_ =	shalt  }
0x79: {  	_ =	shalt  }
0x7a: {  	_ =	shalt  }
0x7b: {  	_ =	shalt  }
0x7c: {  	_ =	shalt  }
0x7d: {  	_ =	shalt  }
0x7e: {  	_ =	shalt  }
0x7f: {  	_ =	shalt  }
0x80: {  	_ =	shalt  }
0x81: {  	_ =	shalt  }
0x82: {  	_ =	shalt  }
0x83: {  	_ =	shalt  }
0x84: {  	_ =	shalt  }
0x85: {  	_ =	shalt  }
0x86: {  	_ =	shalt  }
0x87: {  	_ =	shalt  }
.Lfunc_end0:
.L_simem_size_0:
called_computation.1_lowered:
.L_overlay_start_0:
0x88: {  	s2 =	sld [smem:$0x3FD9]  }
0x89: {  	s3 =	sld [smem:$0x3FFE];
	_ =	sdelay $0x1  }
0x8a: {  	s1 =	srdreg.scid  }
0x8b: {  	s0 =	sand.u32 $0x1, s1  }
0x8c: {  	s17 =	sshll.u32 s0, $0xA;
	s2 =	sadd.s32 s3, s2  }
0x8d: {  	s2 =	sadd.s32 s2, s17  }
0x8e: {  	[smem:$0x3FC6] =	sst s2  }
0x8f: {  	_ = 	snop  }
0x90: {  	s2 =	sld [smem:$0x3FD0];
	(tm) =	ssettm $0x1  }
0x91: {  	s18 =	sld [smem:$0x3FFB];
	_ =	sdelay $0x3  }
0x92: {  	_ =	strace s18  }
0x93: {  	s3 =	sld [smem:$0x3FFC];
	_ =	sdelay $0x3  }
0x94: {  	_ =	strace s3  }
0x95: {  	s3 =	sld [smem:$0x3FFD];
	_ =	sdelay $0x3  }
0x96: {  	_ =	strace s3  }
0x97: {  	_ =	strace $0x8FFFFFFF  }
0x98: {  	s19 =	sld [smem:$0x3FDB];
	_ =	sdelay $0x1  }
0x99: {  	s4 =	simm.s32 $_scs_section_size  }
0x9a: {  	s5 =	simm.s32 $_size__tile_overlayer_lowered;
	s6 =	simm.s32 $_tile_overlayer_lowered  }
0x9b: {  	s22 =	simm.s32 $0x1BFF;
	s21 =	sshll.u32 s6, $0x1;
	s3 =	sadd.s32 s4, s19  }
0x9c: {  	s7 =	simm.s32 $0x0;
	s20 =	sshll.u32 s5, $0x1;
	s5 =	sadd.s32 s21, s3  }
0x9d: {  	[timem:s7], [sflag:s22] =	dma.local [hbm:s5], s20  }
0x9e: {  	_ =	swait.ge [sflag:s22], s20  }
0x9f: {  	s4 =	ssub.s32 $0x0, s20;
	[sflag:s22] =	ssyncset.done $0x0  }
0xa0: {  	[sflag:s22] =	ssyncadd.s32 s4;
	_ =	sdelay $0x1  }
0xa1: {  	s23 =	simm.s32 $0x1B8B  }
0xa2: {  	_ =	swait.ge [sflag:s23], $0x1  }
0xa3: {  	[sflag:s23] =	ssyncset.done $0x0  }
0xa4: {  	s25 =	simm.s32 $0x1B8E;
	s24 =	sld [smem:$0x3FFE];
	[sflag:s23] =	ssyncadd.s32 $0xFFFFFFFF  }
0xa5: {  	s26 =	simm.s32 $execute0_lowered;
	[smem:$0x3FD2] =	sst s25  }
0xa6: {  	s5 =	sshll.u32 s26, $0x1;
	_ =	strace $0x80000046;
	[dreg:$0x1] =	wrdreg $0xFFFFFFFF  }
0xa7: {  	s28 =	simm.s32 $_size_execute0_lowered;
	s3 =	sadd.s32 s3, s5;
	[dreg:$0x0] =	wrdreg $0x0  }
0xa8: {  	s5 =	sshll.u32 s28, $0x1;
	[dreg:$0x2] =	wrdreg s3  }
0xa9: {  	[dreg:$0x3] =	wrdreg s5  }
0xaa: {  	[dreg:$0x4] =	wrdreg $0xC0  }
0xab: {  	_ =	task [dreg:s7], $0x5FFFF  }
0xac: {  	[dreg:$0x1] =	wrdreg $0xFFFFFFFF  }
0xad: {  	[dreg:$0x0] =	wrdreg $0x60  }
0xae: {  	[dreg:$0x2] =	wrdreg s24  }
0xaf: {  	[dreg:$0x3] =	wrdreg s2  }
0xb0: {  	[dreg:$0x4] =	wrdreg $0x9  }
0xb1: {  	_ =	task.clear_ibuf [dreg:s7], $0x5FFFF;
	_ =	strace $0x90000046  }
0xb2: {  	s29 =	simm.s32 $0x9;
	_ =	strace $0x80000048  }
0xb3: {  	_ =	swait.ge [sflag:s29], $0x1  }
0xb4: {  	[sflag:s29] =	ssyncadd.s32 $0xFFFFFFFF  }
0xb5: {  	_ =	strace $0x90000048  }
0xb6: {  	_ =	sfence  }
0xb7: {  	s30 =	sld [smem:$0x0];
	_ =	sdelay $0x2  }
0xb8: {  	s31 =	sshll.u32 s1, $0xD;
	s1 =	sshrl.u32 s1, $0x2  }
0xb9: {  	s3 =	sand.u32 $0x4000, s31;
	s1 =	sadd.s32 s1, s30  }
0xba: {  	s0 =	sor.u32 s3, s0;
	s1 =	sshll.u32 s1, $0x11  }
0xbb: {  	s0 =	sor.u32 s1, s0  }
0xbc: {  	s0 =	sadd.s32 $0x8F2B, s0  }
0xbd: {  	[sflag:s0] =	ssyncadd.remote.s32 $0x1  }
0xbe: {  	_ =	sfence.sel $0xFFFF  }
0xbf: {  	[dreg:$0x0] =	wrdreg $0xFFFFFFFF;
	(pc) =	sbr.abs _section_cstart, $3  }
0xc0: {  	[dreg:$0x1] =	wrdreg $0xFFFFFFFF  }
0xc1: {  	_ =	task.clear_ibuf [dreg:s7], $0x2FFFF;
	_ =	strace $0x9FFFFFFF  }
0xc2: {  	(tm) =	ssettm $0x7FFFFFFF  }
0xc3: {  	_ =	shalt  }
tec
execute0_lowered:
.L_overlay_start_1:
0x0: {  	(tag) =	ssettag $0x1  }
0x1: {  	s1 =	srdreg.scid  }
0x2: {  	s0 =	stileid.u32;
	s5 =	rddreg [dreg:$0x0]  }
0x3: {  	s2 =	rddreg [dreg:$0x1];
	s3 =	simm.s32 $0x0;
	s10 =	simm.s32 $0x80  }
0x4: {  	s11 =	simm.s32 $0x6400;
	s12 =	simm.s32 $0x8400;
	s13 =	simm.s32 $0xA400  }
0x5: {  	s14 =	simm.s32 $0xC400;
	s6 =	sand.u32 $0x1, s1;
	s31 =	sshll.u32 s0, $0x1  }
0x6: {  	s15 =	simm.s32 $0x1;
	s16 =	simm.s32 $0x2;
	s7 =	sor.u32 s6, s31  }
0x7: {  	s17 =	simm.s32 $0x0;
	[smem:$0x7FF] =	sst s3;
	s4 =	smul.u32 $0x6400, s7  }
0x8: {  	s1 =	rddreg [dreg:$0x2];
	s6 =	ssub.s32 $0x2, s6;
	_ =	strace $0x80000047  }
0x9: {  	s9 =	sshrl.u32 s6, $0x1;
	s7 =	smul.u32 $0x190000, s7;
	s8 =	sshrl.u32 s4, $0x3  }
0xa: {  	s9 =	ssub.s32 s6, s9;
	s8 =	sadd.s32 s8, s5;
	s5 =	sadd.s32 $0xF42E00, s5  }
0xb: {  	s6 =	sadd.s32 $0xA00, s8;
	s8 =	smax.u32 s9, $0x1;
	s9 =	simm.s32 $0x3  }
.LBB2_1:
0xc: {  	[tilespmem:s3], [sflag:$0x3] =	stream.linear.gather [hbm4b:s6+s3], $0x6400, $0x38;
	[tilespmem:$0xE400] =	vst v63  }
0xd: {  	_ =	swait.ge [sflag:s9], $0x6400  }
0xe: {  	[sflag:s9] =	ssyncset.done $0x0  }
0xf: {  	s18 =	simm.s32 $0x0;
	[sflag:s9] =	ssyncadd.s32 $0xFFFF9C00  }
.LBB2_2:
0x10: {  	s19 =	sshll.u32 s18, $0x9  }
0x11: {  	s20 =	sand.u32 $0x3FFFFE00, s19  }
0x12: {  	[tilespmem:s11], [sflag:$0x1] =	stream.indirect.gather [hbm4b:s5+s10], $0x40, s20, s10, $0xb8;
	[tilespmem:$0xE400] =	vst v63  }
0x13: {  	s21 =	sor.u32 $0x80, s19  }
0x14: {  	[tilespmem:s12], [sflag:$0x1] =	stream.indirect.gather [hbm4b:s5+s10], $0x40, s21, s10, $0xb8;
	[tilespmem:$0xE400] =	vst v63  }
0x15: {  	s20 =	sor.u32 $0x100, s19  }
0x16: {  	[tilespmem:s13], [sflag:$0x1] =	stream.indirect.gather [hbm4b:s5+s10], $0x40, s20, s10, $0xb8;
	[tilespmem:$0xE400] =	vst v63  }
0x17: {  	s19 =	sor.u32 $0x180, s19  }
0x18: {  	[tilespmem:s14], [sflag:$0x1] =	stream.indirect.gather [hbm4b:s5+s10], $0x40, s19, s10, $0xb8;
	[tilespmem:$0xE400] =	vst v63  }
0x19: {  	_ =	swait.ge [sflag:s15], $0x2000  }
0x1a: {  	[sflag:s15] =	ssyncset.done $0x0  }
0x1b: {  	s22 =	simm.s32 $0x0;
	[sflag:s15] =	ssyncadd.s32 $0xFFFFE000  }
0x1c: {  	v2 =	vld [tilespmem:s22+$0x6400]  }
0x1d: {  	v1 =	vld [tilespmem:s22+$0x6410]  }
0x1e: {  	s23 =	simm.s32 $0x100;
	v0 =	vld [tilespmem:s22+$0x6420]  }
.LBB2_3:
0x1f: {  	p0 =	sne.s32 s23, $0x7F00;
	v3 =	vld [tilespmem:s22+$0x6430];
	_ =	sdelay $0x1  }
0x20: {  	v4 =	vand.u32 $0x7FFFFFFF, v2  }
0x21: {  	v4 =	vmul.f32 $-1.442695020e+00, v4;
	v5 =	vand.u32 $0x7FFFFFFF, v1  }
0x22: {  	v5 =	vmul.f32 $-1.442695020e+00, v5;
	v6 =	vand.u32 $0x7FFFFFFF, v0  }
0x23: {  	v6 =	vmul.f32 $-1.442695020e+00, v6;
	v7 =	vand.u32 $0x7FFFFFFF, v3;
	(erf) = vpow2.f32 v4  }
0x24: {  	v4 =	vmul.f32 $-1.442695020e+00, v7;
	(erf) = vpow2.f32 v5  }
0x25: {  	(erf) = vpow2.f32 v6  }
0x26: {  	(erf) = vpow2.f32 v4;
	_ =	sdelay $0x5  }
0x27: {  	v4 =	vpop (erf)  }
0x28: {  	v5 =	vmul.f32 $7.473614810e-02, v4;
	v6 =	vpop (erf)  }
0x29: {  	v7 =	vmul.f32 $7.473614810e-02, v6;
	v8 =	vpop (erf)  }
0x2a: {  	v5 =	vsub.f32 $2.546222210e-01, v5;
	v9 =	vmul.f32 $7.473614810e-02, v8;
	v10 =	vpop (erf)  }
0x2b: {  	v7 =	vsub.f32 $2.546222210e-01, v7;
	v11 =	vmul.f32 $7.473614810e-02, v10  }
0x2c: {  	v5 =	vmul.f32 v5, v4;
	v9 =	vsub.f32 $2.546222210e-01, v9  }
0x2d: {  	v7 =	vmul.f32 v7, v6;
	v11 =	vsub.f32 $2.546222210e-01, v11  }
0x2e: {  	v5 =	vadd.f32 $-4.866430760e-01, v5;
	v9 =	vmul.f32 v9, v8  }
0x2f: {  	v7 =	vadd.f32 $-4.866430760e-01, v7;
	v11 =	vmul.f32 v11, v10  }
0x30: {  	v5 =	vmul.f32 v5, v4;
	v9 =	vadd.f32 $-4.866430760e-01, v9  }
0x31: {  	v7 =	vmul.f32 v7, v6;
	v11 =	vadd.f32 $-4.866430760e-01, v11  }
0x32: {  	v5 =	vadd.f32 $9.996203780e-01, v5;
	v9 =	vmul.f32 v9, v8  }
0x33: {  	v7 =	vadd.f32 $9.996203780e-01, v7;
	v11 =	vmul.f32 v11, v10  }
0x34: {  	v4 =	vmul.f32 v5, v4;
	v5 =	vadd.f32 $9.996203780e-01, v9  }
0x35: {  	v2 =	vmax.f32 v2, $0.0e+00;
	v6 =	vmul.f32 v7, v6;
	v7 =	vadd.f32 $9.996203780e-01, v11  }
0x36: {  	v1 =	vmax.f32 v1, $0.0e+00;
	v2 =	vadd.f32 v4, v2;
	v4 =	vmul.f32 v5, v8  }
.Ltmp0:
0x37: {  	v0 =	vmax.f32 v0, $0.0e+00;
	v1 =	vadd.f32 v6, v1;
	v5 =	vmul.f32 v7, v10;
	(pc) =	sbr.rel @p0 .LBB2_3-.Ltmp0, $4  }
0x38: {  	s24 =	sshra.s32 s23, $0x2;
	v3 =	vmax.f32 v3, $0.0e+00;
	[tilespmem:s22+$0x6400] =	vst v2;
	v0 =	vadd.f32 v4, v0  }
0x39: {  	v2 =	vld [tilespmem:s24+$0x6400];
	[tilespmem:s22+$0x6410] =	vst v1;
	v3 =	vadd.f32 v5, v3  }
0x3a: {  	v1 =	vld [tilespmem:s24+$0x6410];
	[tilespmem:s22+$0x6420] =	vst v0  }
0x3b: {  	s23 =	sadd.s32 $0x100, s23;
	v0 =	vld [tilespmem:s24+$0x6420];
	[tilespmem:s22+$0x6430] =	vst v3;
	s22 =	smov.u32 s24  }
0x3c: {  	v3 =	vld [tilespmem:s22+$0x6430];
	_ =	sdelay $0x1  }
0x3d: {  	v4 =	vand.u32 $0x7FFFFFFF, v2  }
0x3e: {  	v4 =	vmul.f32 $-1.442695020e+00, v4;
	v5 =	vand.u32 $0x7FFFFFFF, v1  }
0x3f: {  	v5 =	vmul.f32 $-1.442695020e+00, v5;
	v6 =	vand.u32 $0x7FFFFFFF, v0  }
0x40: {  	v6 =	vmul.f32 $-1.442695020e+00, v6;
	v7 =	vand.u32 $0x7FFFFFFF, v3;
	(erf) = vpow2.f32 v4  }
0x41: {  	v55 =	vmul.f32 $-1.442695020e+00, v7;
	(erf) = vpow2.f32 v5  }
0x42: {  	(erf) = vpow2.f32 v6  }
0x43: {  	(erf) = vpow2.f32 v55;
	_ =	sdelay $0x5  }
0x44: {  	v56 =	vpop (erf)  }
0x45: {  	v57 =	vmul.f32 $7.473614810e-02, v56;
	v58 =	vpop (erf)  }
0x46: {  	v59 =	vmul.f32 $7.473614810e-02, v58;
	v8 =	vpop (erf)  }
0x47: {  	v5 =	vsub.f32 $2.546222210e-01, v57;
	v9 =	vmul.f32 $7.473614810e-02, v8;
	v10 =	vpop (erf)  }
0x48: {  	v7 =	vsub.f32 $2.546222210e-01, v59;
	v11 =	vmul.f32 $7.473614810e-02, v10  }
0x49: {  	v5 =	vmul.f32 v5, v56;
	v9 =	vsub.f32 $2.546222210e-01, v9  }
0x4a: {  	v7 =	vmul.f32 v7, v58;
	v11 =	vsub.f32 $2.546222210e-01, v11  }
0x4b: {  	v5 =	vadd.f32 $-4.866430760e-01, v5;
	v9 =	vmul.f32 v9, v8  }
0x4c: {  	v7 =	vadd.f32 $-4.866430760e-01, v7;
	v11 =	vmul.f32 v11, v10  }
0x4d: {  	v5 =	vmul.f32 v5, v56;
	v9 =	vadd.f32 $-4.866430760e-01, v9  }
0x4e: {  	v7 =	vmul.f32 v7, v58;
	v11 =	vadd.f32 $-4.866430760e-01, v11  }
0x4f: {  	v5 =	vadd.f32 $9.996203780e-01, v5;
	v9 =	vmul.f32 v9, v8  }
0x50: {  	v7 =	vadd.f32 $9.996203780e-01, v7;
	v11 =	vmul.f32 v11, v10  }
0x51: {  	v4 =	vmul.f32 v5, v56;
	v60 =	vadd.f32 $9.996203780e-01, v9  }
0x52: {  	v2 =	vmax.f32 v2, $0.0e+00;
	v6 =	vmul.f32 v7, v58;
	v61 =	vadd.f32 $9.996203780e-01, v11  }
0x53: {  	v1 =	vmax.f32 v1, $0.0e+00;
	v2 =	vadd.f32 v4, v2;
	v62 =	vmul.f32 v60, v8  }
0x54: {  	v0 =	vmax.f32 v0, $0.0e+00;
	v1 =	vadd.f32 v6, v1;
	v63 =	vmul.f32 v61, v10  }
0x55: {  	s23 =	sshll.u32 s18, $0xF;
	[tilespmem:s22+$0x6400] =	vst v2;
	v0 =	vadd.f32 v62, v0;
	v2 =	vmax.f32 v3, $0.0e+00  }
0x56: {  	s23 =	sadd.s32 s7, s23;
	[tilespmem:s22+$0x6410] =	vst v1;
	v1 =	vadd.f32 v63, v2  }
0x57: {  	s23 =	sshrl.u32 s23, $0x3;
	[tilespmem:s22+$0x6420] =	vst v0  }
0x58: {  	s31 =	simm.s32 $0x0;
	s30 =	sadd.s32 s2, s23;
	[tilespmem:s22+$0x6430] =	vst v1  }
0x59: {  	[hbm4b:s30+s31] =	stream.linear.scatter [tilespmem:s11], [sflag:$0x2], $0x2000, $0x38;
	[tilespmem:$0xE400] =	vst v63  }
0x5a: {  	_ =	swait.ge [sflag:s15], $0x2000  }
0x5b: {  	[sflag:s15] =	ssyncset.done $0x0  }
0x5c: {  	s22 =	simm.s32 $0x0;
	[sflag:s15] =	ssyncadd.s32 $0xFFFFE000  }
0x5d: {  	v2 =	vld [tilespmem:s22+$0x8400]  }
0x5e: {  	v1 =	vld [tilespmem:s22+$0x8410]  }
0x5f: {  	s23 =	simm.s32 $0x100;
	v0 =	vld [tilespmem:s22+$0x8420]  }
.LBB2_5:
0x60: {  	p0 =	sne.s32 s23, $0x7F00;
	v3 =	vld [tilespmem:s22+$0x8430];
	_ =	sdelay $0x1  }
0x61: {  	v4 =	vand.u32 $0x7FFFFFFF, v2  }
0x62: {  	v4 =	vmul.f32 $-1.442695020e+00, v4;
	v5 =	vand.u32 $0x7FFFFFFF, v1  }
0x63: {  	v5 =	vmul.f32 $-1.442695020e+00, v5;
	v6 =	vand.u32 $0x7FFFFFFF, v0  }
0x64: {  	v6 =	vmul.f32 $-1.442695020e+00, v6;
	v7 =	vand.u32 $0x7FFFFFFF, v3;
	(erf) = vpow2.f32 v4  }
0x65: {  	v4 =	vmul.f32 $-1.442695020e+00, v7;
	(erf) = vpow2.f32 v5  }
0x66: {  	(erf) = vpow2.f32 v6  }
0x67: {  	(erf) = vpow2.f32 v4;
	_ =	sdelay $0x5  }
0x68: {  	v4 =	vpop (erf)  }
0x69: {  	v5 =	vmul.f32 $7.473614810e-02, v4;
	v6 =	vpop (erf)  }
0x6a: {  	v7 =	vmul.f32 $7.473614810e-02, v6;
	v8 =	vpop (erf)  }
0x6b: {  	v5 =	vsub.f32 $2.546222210e-01, v5;
	v9 =	vmul.f32 $7.473614810e-02, v8;
	v10 =	vpop (erf)  }
0x6c: {  	v7 =	vsub.f32 $2.546222210e-01, v7;
	v11 =	vmul.f32 $7.473614810e-02, v10  }
0x6d: {  	v5 =	vmul.f32 v5, v4;
	v9 =	vsub.f32 $2.546222210e-01, v9  }
0x6e: {  	v7 =	vmul.f32 v7, v6;
	v11 =	vsub.f32 $2.546222210e-01, v11  }
0x6f: {  	v5 =	vadd.f32 $-4.866430760e-01, v5;
	v9 =	vmul.f32 v9, v8  }
0x70: {  	v7 =	vadd.f32 $-4.866430760e-01, v7;
	v11 =	vmul.f32 v11, v10  }
0x71: {  	v5 =	vmul.f32 v5, v4;
	v9 =	vadd.f32 $-4.866430760e-01, v9  }
0x72: {  	v7 =	vmul.f32 v7, v6;
	v11 =	vadd.f32 $-4.866430760e-01, v11  }
0x73: {  	v5 =	vadd.f32 $9.996203780e-01, v5;
	v9 =	vmul.f32 v9, v8  }
0x74: {  	v7 =	vadd.f32 $9.996203780e-01, v7;
	v11 =	vmul.f32 v11, v10  }
0x75: {  	v4 =	vmul.f32 v5, v4;
	v5 =	vadd.f32 $9.996203780e-01, v9  }
0x76: {  	v2 =	vmax.f32 v2, $0.0e+00;
	v6 =	vmul.f32 v7, v6;
	v7 =	vadd.f32 $9.996203780e-01, v11  }
0x77: {  	v1 =	vmax.f32 v1, $0.0e+00;
	v2 =	vadd.f32 v4, v2;
	v4 =	vmul.f32 v5, v8  }
.Ltmp1:
0x78: {  	v0 =	vmax.f32 v0, $0.0e+00;
	v1 =	vadd.f32 v6, v1;
	v5 =	vmul.f32 v7, v10;
	(pc) =	sbr.rel @p0 .LBB2_5-.Ltmp1, $4  }
0x79: {  	s24 =	sshra.s32 s23, $0x2;
	v3 =	vmax.f32 v3, $0.0e+00;
	[tilespmem:s22+$0x8400] =	vst v2;
	v0 =	vadd.f32 v4, v0  }
0x7a: {  	v2 =	vld [tilespmem:s24+$0x8400];
	[tilespmem:s22+$0x8410] =	vst v1;
	v3 =	vadd.f32 v5, v3  }
0x7b: {  	v1 =	vld [tilespmem:s24+$0x8410];
	[tilespmem:s22+$0x8420] =	vst v0  }
0x7c: {  	s23 =	sadd.s32 $0x100, s23;
	v0 =	vld [tilespmem:s24+$0x8420];
	[tilespmem:s22+$0x8430] =	vst v3;
	s22 =	smov.u32 s24  }
0x7d: {  	v3 =	vld [tilespmem:s22+$0x8430];
	_ =	sdelay $0x1  }
0x7e: {  	v4 =	vand.u32 $0x7FFFFFFF, v2  }
0x7f: {  	v4 =	vmul.f32 $-1.442695020e+00, v4;
	v5 =	vand.u32 $0x7FFFFFFF, v1  }
0x80: {  	v5 =	vmul.f32 $-1.442695020e+00, v5;
	v6 =	vand.u32 $0x7FFFFFFF, v0  }
0x81: {  	v6 =	vmul.f32 $-1.442695020e+00, v6;
	v7 =	vand.u32 $0x7FFFFFFF, v3;
	(erf) = vpow2.f32 v4  }
0x82: {  	v55 =	vmul.f32 $-1.442695020e+00, v7;
	(erf) = vpow2.f32 v5  }
0x83: {  	(erf) = vpow2.f32 v6  }
0x84: {  	(erf) = vpow2.f32 v55;
	_ =	sdelay $0x5  }
0x85: {  	v56 =	vpop (erf)  }
0x86: {  	v57 =	vmul.f32 $7.473614810e-02, v56;
	v58 =	vpop (erf)  }
0x87: {  	v59 =	vmul.f32 $7.473614810e-02, v58;
	v8 =	vpop (erf)  }
0x88: {  	v5 =	vsub.f32 $2.546222210e-01, v57;
	v9 =	vmul.f32 $7.473614810e-02, v8;
	v10 =	vpop (erf)  }
0x89: {  	v7 =	vsub.f32 $2.546222210e-01, v59;
	v11 =	vmul.f32 $7.473614810e-02, v10  }
0x8a: {  	v5 =	vmul.f32 v5, v56;
	v9 =	vsub.f32 $2.546222210e-01, v9  }
0x8b: {  	v7 =	vmul.f32 v7, v58;
	v11 =	vsub.f32 $2.546222210e-01, v11  }
0x8c: {  	v5 =	vadd.f32 $-4.866430760e-01, v5;
	v9 =	vmul.f32 v9, v8  }
0x8d: {  	v7 =	vadd.f32 $-4.866430760e-01, v7;
	v11 =	vmul.f32 v11, v10  }
0x8e: {  	v5 =	vmul.f32 v5, v56;
	v9 =	vadd.f32 $-4.866430760e-01, v9  }
0x8f: {  	v7 =	vmul.f32 v7, v58;
	v11 =	vadd.f32 $-4.866430760e-01, v11  }
0x90: {  	v5 =	vadd.f32 $9.996203780e-01, v5;
	v9 =	vmul.f32 v9, v8  }
0x91: {  	v7 =	vadd.f32 $9.996203780e-01, v7;
	v11 =	vmul.f32 v11, v10  }
0x92: {  	v4 =	vmul.f32 v5, v56;
	v60 =	vadd.f32 $9.996203780e-01, v9  }
0x93: {  	v2 =	vmax.f32 v2, $0.0e+00;
	v6 =	vmul.f32 v7, v58;
	v61 =	vadd.f32 $9.996203780e-01, v11  }
0x94: {  	v1 =	vmax.f32 v1, $0.0e+00;
	v2 =	vadd.f32 v4, v2;
	v62 =	vmul.f32 v60, v8  }
0x95: {  	v0 =	vmax.f32 v0, $0.0e+00;
	v1 =	vadd.f32 v6, v1;
	v63 =	vmul.f32 v61, v10  }
0x96: {  	s21 =	sadd.s32 s4, s21;
	[tilespmem:s22+$0x8400] =	vst v2;
	v0 =	vadd.f32 v62, v0;
	v2 =	vmax.f32 v3, $0.0e+00  }
0x97: {  	s21 =	sshll.u32 s21, $0x3;
	[tilespmem:s22+$0x8410] =	vst v1;
	v1 =	vadd.f32 v63, v2  }
0x98: {  	s21 =	sand.u32 $0x1FFFF400, s21;
	[tilespmem:s22+$0x8420] =	vst v0  }
0x99: {  	s31 =	simm.s32 $0x0;
	s21 =	sadd.s32 s2, s21;
	[tilespmem:s22+$0x8430] =	vst v1  }
0x9a: {  	[hbm4b:s21+s31] =	stream.linear.scatter [tilespmem:s12], [sflag:$0x2], $0x2000, $0x38;
	[tilespmem:$0xE400] =	vst v63  }
0x9b: {  	_ =	swait.ge [sflag:s15], $0x2000  }
0x9c: {  	[sflag:s15] =	ssyncset.done $0x0  }
0x9d: {  	s21 =	simm.s32 $0x0;
	[sflag:s15] =	ssyncadd.s32 $0xFFFFE000  }
0x9e: {  	v2 =	vld [tilespmem:s21+$0xA400]  }
0x9f: {  	v1 =	vld [tilespmem:s21+$0xA410]  }
0xa0: {  	s22 =	simm.s32 $0x100;
	v0 =	vld [tilespmem:s21+$0xA420]  }
.LBB2_7:
0xa1: {  	p0 =	sne.s32 s22, $0x7F00;
	v3 =	vld [tilespmem:s21+$0xA430];
	_ =	sdelay $0x1  }
0xa2: {  	v4 =	vand.u32 $0x7FFFFFFF, v2  }
0xa3: {  	v4 =	vmul.f32 $-1.442695020e+00, v4;
	v5 =	vand.u32 $0x7FFFFFFF, v1  }
0xa4: {  	v5 =	vmul.f32 $-1.442695020e+00, v5;
	v6 =	vand.u32 $0x7FFFFFFF, v0  }
0xa5: {  	v6 =	vmul.f32 $-1.442695020e+00, v6;
	v7 =	vand.u32 $0x7FFFFFFF, v3;
	(erf) = vpow2.f32 v4  }
0xa6: {  	v4 =	vmul.f32 $-1.442695020e+00, v7;
	(erf) = vpow2.f32 v5  }
0xa7: {  	(erf) = vpow2.f32 v6  }
0xa8: {  	(erf) = vpow2.f32 v4;
	_ =	sdelay $0x5  }
0xa9: {  	v4 =	vpop (erf)  }
0xaa: {  	v5 =	vmul.f32 $7.473614810e-02, v4;
	v6 =	vpop (erf)  }
0xab: {  	v7 =	vmul.f32 $7.473614810e-02, v6;
	v8 =	vpop (erf)  }
0xac: {  	v5 =	vsub.f32 $2.546222210e-01, v5;
	v9 =	vmul.f32 $7.473614810e-02, v8;
	v10 =	vpop (erf)  }
0xad: {  	v7 =	vsub.f32 $2.546222210e-01, v7;
	v11 =	vmul.f32 $7.473614810e-02, v10  }
0xae: {  	v5 =	vmul.f32 v5, v4;
	v9 =	vsub.f32 $2.546222210e-01, v9  }
0xaf: {  	v7 =	vmul.f32 v7, v6;
	v11 =	vsub.f32 $2.546222210e-01, v11  }
0xb0: {  	v5 =	vadd.f32 $-4.866430760e-01, v5;
	v9 =	vmul.f32 v9, v8  }
0xb1: {  	v7 =	vadd.f32 $-4.866430760e-01, v7;
	v11 =	vmul.f32 v11, v10  }
0xb2: {  	v5 =	vmul.f32 v5, v4;
	v9 =	vadd.f32 $-4.866430760e-01, v9  }
0xb3: {  	v7 =	vmul.f32 v7, v6;
	v11 =	vadd.f32 $-4.866430760e-01, v11  }
0xb4: {  	v5 =	vadd.f32 $9.996203780e-01, v5;
	v9 =	vmul.f32 v9, v8  }
0xb5: {  	v7 =	vadd.f32 $9.996203780e-01, v7;
	v11 =	vmul.f32 v11, v10  }
0xb6: {  	v4 =	vmul.f32 v5, v4;
	v5 =	vadd.f32 $9.996203780e-01, v9  }
0xb7: {  	v2 =	vmax.f32 v2, $0.0e+00;
	v6 =	vmul.f32 v7, v6;
	v7 =	vadd.f32 $9.996203780e-01, v11  }
0xb8: {  	v1 =	vmax.f32 v1, $0.0e+00;
	v2 =	vadd.f32 v4, v2;
	v4 =	vmul.f32 v5, v8  }
.Ltmp2:
0xb9: {  	v0 =	vmax.f32 v0, $0.0e+00;
	v1 =	vadd.f32 v6, v1;
	v5 =	vmul.f32 v7, v10;
	(pc) =	sbr.rel @p0 .LBB2_7-.Ltmp2, $4  }
0xba: {  	s23 =	sshra.s32 s22, $0x2;
	v3 =	vmax.f32 v3, $0.0e+00;
	[tilespmem:s21+$0xA400] =	vst v2;
	v0 =	vadd.f32 v4, v0  }
0xbb: {  	v2 =	vld [tilespmem:s23+$0xA400];
	[tilespmem:s21+$0xA410] =	vst v1;
	v3 =	vadd.f32 v5, v3  }
0xbc: {  	v1 =	vld [tilespmem:s23+$0xA410];
	[tilespmem:s21+$0xA420] =	vst v0  }
0xbd: {  	s22 =	sadd.s32 $0x100, s22;
	v0 =	vld [tilespmem:s23+$0xA420];
	[tilespmem:s21+$0xA430] =	vst v3;
	s21 =	smov.u32 s23  }
0xbe: {  	v3 =	vld [tilespmem:s21+$0xA430];
	_ =	sdelay $0x1  }
0xbf: {  	v4 =	vand.u32 $0x7FFFFFFF, v2  }
0xc0: {  	v4 =	vmul.f32 $-1.442695020e+00, v4;
	v5 =	vand.u32 $0x7FFFFFFF, v1  }
0xc1: {  	v5 =	vmul.f32 $-1.442695020e+00, v5;
	v6 =	vand.u32 $0x7FFFFFFF, v0  }
0xc2: {  	v6 =	vmul.f32 $-1.442695020e+00, v6;
	v7 =	vand.u32 $0x7FFFFFFF, v3;
	(erf) = vpow2.f32 v4  }
0xc3: {  	v55 =	vmul.f32 $-1.442695020e+00, v7;
	(erf) = vpow2.f32 v5  }
0xc4: {  	(erf) = vpow2.f32 v6  }
0xc5: {  	(erf) = vpow2.f32 v55;
	_ =	sdelay $0x5  }
0xc6: {  	v56 =	vpop (erf)  }
0xc7: {  	v57 =	vmul.f32 $7.473614810e-02, v56;
	v58 =	vpop (erf)  }
0xc8: {  	v59 =	vmul.f32 $7.473614810e-02, v58;
	v8 =	vpop (erf)  }
0xc9: {  	v5 =	vsub.f32 $2.546222210e-01, v57;
	v9 =	vmul.f32 $7.473614810e-02, v8;
	v10 =	vpop (erf)  }
0xca: {  	v7 =	vsub.f32 $2.546222210e-01, v59;
	v11 =	vmul.f32 $7.473614810e-02, v10  }
0xcb: {  	v5 =	vmul.f32 v5, v56;
	v9 =	vsub.f32 $2.546222210e-01, v9  }
0xcc: {  	v7 =	vmul.f32 v7, v58;
	v11 =	vsub.f32 $2.546222210e-01, v11  }
0xcd: {  	v5 =	vadd.f32 $-4.866430760e-01, v5;
	v9 =	vmul.f32 v9, v8  }
0xce: {  	v7 =	vadd.f32 $-4.866430760e-01, v7;
	v11 =	vmul.f32 v11, v10  }
0xcf: {  	v5 =	vmul.f32 v5, v56;
	v9 =	vadd.f32 $-4.866430760e-01, v9  }
0xd0: {  	v7 =	vmul.f32 v7, v58;
	v11 =	vadd.f32 $-4.866430760e-01, v11  }
0xd1: {  	v5 =	vadd.f32 $9.996203780e-01, v5;
	v9 =	vmul.f32 v9, v8  }
0xd2: {  	v7 =	vadd.f32 $9.996203780e-01, v7;
	v11 =	vmul.f32 v11, v10  }
0xd3: {  	v4 =	vmul.f32 v5, v56;
	v60 =	vadd.f32 $9.996203780e-01, v9  }
0xd4: {  	v2 =	vmax.f32 v2, $0.0e+00;
	v6 =	vmul.f32 v7, v58;
	v61 =	vadd.f32 $9.996203780e-01, v11  }
0xd5: {  	v1 =	vmax.f32 v1, $0.0e+00;
	v2 =	vadd.f32 v4, v2;
	v62 =	vmul.f32 v60, v8  }
0xd6: {  	v0 =	vmax.f32 v0, $0.0e+00;
	v1 =	vadd.f32 v6, v1;
	v63 =	vmul.f32 v61, v10  }
0xd7: {  	s20 =	sadd.s32 s4, s20;
	[tilespmem:s21+$0xA400] =	vst v2;
	v0 =	vadd.f32 v62, v0;
	v2 =	vmax.f32 v3, $0.0e+00  }
0xd8: {  	s20 =	sshll.u32 s20, $0x3;
	[tilespmem:s21+$0xA410] =	vst v1;
	v1 =	vadd.f32 v63, v2  }
0xd9: {  	s20 =	sand.u32 $0x1FFFF800, s20;
	[tilespmem:s21+$0xA420] =	vst v0  }
0xda: {  	s31 =	simm.s32 $0x0;
	s20 =	sadd.s32 s2, s20;
	[tilespmem:s21+$0xA430] =	vst v1  }
0xdb: {  	[hbm4b:s20+s31] =	stream.linear.scatter [tilespmem:s13], [sflag:$0x2], $0x2000, $0x38;
	[tilespmem:$0xE400] =	vst v63  }
0xdc: {  	_ =	swait.ge [sflag:s15], $0x2000  }
0xdd: {  	[sflag:s15] =	ssyncset.done $0x0  }
0xde: {  	s20 =	simm.s32 $0x0;
	[sflag:s15] =	ssyncadd.s32 $0xFFFFE000  }
0xdf: {  	v2 =	vld [tilespmem:s20+$0xC400]  }
0xe0: {  	v1 =	vld [tilespmem:s20+$0xC410]  }
0xe1: {  	s21 =	simm.s32 $0x100;
	v0 =	vld [tilespmem:s20+$0xC420]  }
.LBB2_9:
0xe2: {  	p0 =	sne.s32 s21, $0x7F00;
	v3 =	vld [tilespmem:s20+$0xC430];
	_ =	sdelay $0x1  }
0xe3: {  	v4 =	vand.u32 $0x7FFFFFFF, v2  }
0xe4: {  	v4 =	vmul.f32 $-1.442695020e+00, v4;
	v5 =	vand.u32 $0x7FFFFFFF, v1  }
0xe5: {  	v5 =	vmul.f32 $-1.442695020e+00, v5;
	v6 =	vand.u32 $0x7FFFFFFF, v0  }
0xe6: {  	v6 =	vmul.f32 $-1.442695020e+00, v6;
	v7 =	vand.u32 $0x7FFFFFFF, v3;
	(erf) = vpow2.f32 v4  }
0xe7: {  	v4 =	vmul.f32 $-1.442695020e+00, v7;
	(erf) = vpow2.f32 v5  }
0xe8: {  	(erf) = vpow2.f32 v6  }
0xe9: {  	(erf) = vpow2.f32 v4;
	_ =	sdelay $0x5  }
0xea: {  	v4 =	vpop (erf)  }
0xeb: {  	v5 =	vmul.f32 $7.473614810e-02, v4;
	v6 =	vpop (erf)  }
0xec: {  	v7 =	vmul.f32 $7.473614810e-02, v6;
	v8 =	vpop (erf)  }
0xed: {  	v5 =	vsub.f32 $2.546222210e-01, v5;
	v9 =	vmul.f32 $7.473614810e-02, v8;
	v10 =	vpop (erf)  }
0xee: {  	v7 =	vsub.f32 $2.546222210e-01, v7;
	v11 =	vmul.f32 $7.473614810e-02, v10  }
0xef: {  	v5 =	vmul.f32 v5, v4;
	v9 =	vsub.f32 $2.546222210e-01, v9  }
0xf0: {  	v7 =	vmul.f32 v7, v6;
	v11 =	vsub.f32 $2.546222210e-01, v11  }
0xf1: {  	v5 =	vadd.f32 $-4.866430760e-01, v5;
	v9 =	vmul.f32 v9, v8  }
0xf2: {  	v7 =	vadd.f32 $-4.866430760e-01, v7;
	v11 =	vmul.f32 v11, v10  }
0xf3: {  	v5 =	vmul.f32 v5, v4;
	v9 =	vadd.f32 $-4.866430760e-01, v9  }
0xf4: {  	v7 =	vmul.f32 v7, v6;
	v11 =	vadd.f32 $-4.866430760e-01, v11  }
0xf5: {  	v5 =	vadd.f32 $9.996203780e-01, v5;
	v9 =	vmul.f32 v9, v8  }
0xf6: {  	v7 =	vadd.f32 $9.996203780e-01, v7;
	v11 =	vmul.f32 v11, v10  }
0xf7: {  	v4 =	vmul.f32 v5, v4;
	v5 =	vadd.f32 $9.996203780e-01, v9  }
0xf8: {  	v2 =	vmax.f32 v2, $0.0e+00;
	v6 =	vmul.f32 v7, v6;
	v7 =	vadd.f32 $9.996203780e-01, v11  }
0xf9: {  	v1 =	vmax.f32 v1, $0.0e+00;
	v2 =	vadd.f32 v4, v2;
	v4 =	vmul.f32 v5, v8  }
.Ltmp3:
0xfa: {  	v0 =	vmax.f32 v0, $0.0e+00;
	v1 =	vadd.f32 v6, v1;
	v5 =	vmul.f32 v7, v10;
	(pc) =	sbr.rel @p0 .LBB2_9-.Ltmp3, $4  }
0xfb: {  	s22 =	sshra.s32 s21, $0x2;
	v3 =	vmax.f32 v3, $0.0e+00;
	[tilespmem:s20+$0xC400] =	vst v2;
	v0 =	vadd.f32 v4, v0  }
0xfc: {  	v2 =	vld [tilespmem:s22+$0xC400];
	[tilespmem:s20+$0xC410] =	vst v1;
	v3 =	vadd.f32 v5, v3  }
0xfd: {  	v1 =	vld [tilespmem:s22+$0xC410];
	[tilespmem:s20+$0xC420] =	vst v0  }
0xfe: {  	s21 =	sadd.s32 $0x100, s21;
	v0 =	vld [tilespmem:s22+$0xC420];
	[tilespmem:s20+$0xC430] =	vst v3;
	s20 =	smov.u32 s22  }
0xff: {  	v3 =	vld [tilespmem:s20+$0xC430];
	_ =	sdelay $0x1  }
0x100: {  	v4 =	vand.u32 $0x7FFFFFFF, v2  }
0x101: {  	v4 =	vmul.f32 $-1.442695020e+00, v4;
	v5 =	vand.u32 $0x7FFFFFFF, v1  }
0x102: {  	v5 =	vmul.f32 $-1.442695020e+00, v5;
	v6 =	vand.u32 $0x7FFFFFFF, v0  }
0x103: {  	v6 =	vmul.f32 $-1.442695020e+00, v6;
	v7 =	vand.u32 $0x7FFFFFFF, v3;
	(erf) = vpow2.f32 v4  }
0x104: {  	v50 =	vmul.f32 $-1.442695020e+00, v7;
	(erf) = vpow2.f32 v5  }
0x105: {  	(erf) = vpow2.f32 v6  }
0x106: {  	(erf) = vpow2.f32 v50;
	_ =	sdelay $0x5  }
0x107: {  	v51 =	vpop (erf)  }
0x108: {  	v52 =	vmul.f32 $7.473614810e-02, v51;
	v53 =	vpop (erf)  }
0x109: {  	v54 =	vmul.f32 $7.473614810e-02, v53;
	v8 =	vpop (erf)  }
0x10a: {  	v5 =	vsub.f32 $2.546222210e-01, v52;
	v9 =	vmul.f32 $7.473614810e-02, v8;
	v10 =	vpop (erf)  }
0x10b: {  	v7 =	vsub.f32 $2.546222210e-01, v54;
	v11 =	vmul.f32 $7.473614810e-02, v10  }
0x10c: {  	v5 =	vmul.f32 v5, v51;
	v9 =	vsub.f32 $2.546222210e-01, v9  }
0x10d: {  	v7 =	vmul.f32 v7, v53;
	v11 =	vsub.f32 $2.546222210e-01, v11  }
0x10e: {  	v5 =	vadd.f32 $-4.866430760e-01, v5;
	v9 =	vmul.f32 v9, v8  }
0x10f: {  	v7 =	vadd.f32 $-4.866430760e-01, v7;
	v11 =	vmul.f32 v11, v10  }
0x110: {  	v5 =	vmul.f32 v5, v51;
	v9 =	vadd.f32 $-4.866430760e-01, v9  }
0x111: {  	v7 =	vmul.f32 v7, v53;
	v11 =	vadd.f32 $-4.866430760e-01, v11  }
0x112: {  	v5 =	vadd.f32 $9.996203780e-01, v5;
	v9 =	vmul.f32 v9, v8  }
0x113: {  	v7 =	vadd.f32 $9.996203780e-01, v7;
	v11 =	vmul.f32 v11, v10  }
0x114: {  	v4 =	vmul.f32 v5, v51;
	v55 =	vadd.f32 $9.996203780e-01, v9  }
0x115: {  	v56 =	vmax.f32 v2, $0.0e+00;
	v6 =	vmul.f32 v7, v53;
	v57 =	vadd.f32 $9.996203780e-01, v11  }
0x116: {  	v58 =	vmax.f32 v1, $0.0e+00;
	v2 =	vadd.f32 v4, v56;
	v59 =	vmul.f32 v55, v8  }
0x117: {  	v60 =	vmax.f32 v0, $0.0e+00;
	v1 =	vadd.f32 v6, v58;
	v61 =	vmul.f32 v57, v10  }
0x118: {  	s19 =	sadd.s32 s4, s19;
	v62 =	vmax.f32 v3, $0.0e+00;
	[tilespmem:s20+$0xC400] =	vst v2;
	v0 =	vadd.f32 v59, v60  }
0x119: {  	s19 =	sshll.u32 s19, $0x3;
	[tilespmem:s20+$0xC410] =	vst v1;
	v63 =	vadd.f32 v61, v62  }
0x11a: {  	s19 =	sand.u32 $0x1FFFFC00, s19;
	[tilespmem:s20+$0xC420] =	vst v0  }
0x11b: {  	s19 =	sadd.s32 s2, s19;
	[tilespmem:s20+$0xC430] =	vst v63  }
0x11c: {  	[hbm4b:s19+s3] =	stream.linear.scatter [tilespmem:s14], [sflag:$0x2], $0x2000, $0x38;
	[tilespmem:$0xE400] =	vst v63  }
0x11d: {  	_ =	swait.ge [sflag:s16], $0x2000  }
0x11e: {  	[sflag:s16] =	ssyncset.done $0x0  }
0x11f: {  	[sflag:s16] =	ssyncadd.s32 $0xFFFFE000  }
0x120: {  	_ =	swait.ge [sflag:s16], $0x2000  }
0x121: {  	[sflag:s16] =	ssyncset.done $0x0  }
0x122: {  	s18 =	sadd.s32 $0x1, s18;
	[sflag:s16] =	ssyncadd.s32 $0xFFFFE000  }
0x123: {  	p0 =	sne.s32 s18, $0x32;
	_ =	swait.ge [sflag:s16], $0x2000  }
.Ltmp4:
0x124: {  	[sflag:s16] =	ssyncset.done $0x0;
	(pc) =	sbr.rel @p0 .LBB2_2-.Ltmp4, $4  }
0x125: {  	[sflag:s16] =	ssyncadd.s32 $0xFFFFE000  }
0x126: {  	_ =	swait.ge [sflag:s16], $0x2000  }
0x127: {  	[sflag:s16] =	ssyncset.done $0x0  }
0x128: {  	[sflag:s16] =	ssyncadd.s32 $0xFFFFE000  }
0x129: {  	s17 =	sadd.s32 $0x1, s17  }
0x12a: {  	p0 =	sne.s32 s17, s8  }
.Ltmp5:
0x12b: {  	_ = 	snop;
	(pc) =	sbr.rel @p0 .LBB2_1-.Ltmp5, $1  }
0x12c: {  	_ =	sdelay $0x3  }
0x12d: {  	_ =	sfence.sel $0x180000  }
0x12e: {  	[bflag:$0x0] =	sbarrier.arrive $0xFFFF  }
0x12f: {  	p0 =	sne.s32 s0, $0x0;
	_ =	strace $0x90000047  }
0x130: {  	s0 =	sadd.s32 @!p0 $0x100000, s1;
	[bflag:$0x2] =	sbarrier.arrive $0xFFFF  }
0x131: {  	[sflag:s0] =	ssyncadd.tile.s32 @!p0 $0x1;
	_ =	shalt  }
.Lfunc_end2:
_tile_overlayer_lowered:
.L_overlay_start_2:
0x132: {  	(tag) =	ssettag $0x2  }
0x133: {  	s0 =	rddreg [dreg:$0x0];
	s2 =	stileid.u32  }
0x134: {  	s1 =	rddreg [dreg:$0x1];
	p0 =	sne.s32 s2, $0x0  }
0x135: {  	s3 =	rddreg [dreg:$0x2];
	[bflag:$0x3] =	sbarrier.arrive $0xFFFF;
	s2 =	simm.s32 @!p0 $0x1C03  }
0x136: {  	[timem:s3], [sflag:s2] =	dma.local @!p0 [hbm:s0], s1  }
0x137: {  	s0 =	simm.s32 @!p0 $0x3  }
0x138: {  	_ =	swait.ge @!p0 [sflag:s0], s1  }
0x139: {  	s1 =	ssub.s32 @!p0 $0x0, s1;
	[sflag:s0] =	ssyncset.done @!p0 $0x0  }
0x13a: {  	[sflag:s0] =	ssyncadd.s32 @!p0 s1  }
0x13b: {  	[bflag:$0x3] =	sbarrier.arrive $0xFFFF  }
0x13c: {  	_ =	shalt  }

// kernel: sparse-core-data-format-call.cloned.1.call-start
scs
called_computation_lowered:
.L_overlay_start_0:
0x0: {  	s2 =	sld [smem:$0x3FD9]  }
0x1: {  	s3 =	sld [smem:$0x3FFE];
	_ =	sdelay $0x1  }
0x2: {  	s1 =	srdreg.scid  }
0x3: {  	s0 =	sand.u32 $0x1, s1  }
0x4: {  	s18 =	sshll.u32 s0, $0xA;
	s2 =	sadd.s32 s3, s2  }
0x5: {  	s2 =	sadd.s32 s2, s18  }
0x6: {  	[smem:$0x3FC6] =	sst s2  }
0x7: {  	_ = 	snop  }
0x8: {  	s2 =	sld [smem:$0x3FD0];
	(tm) =	ssettm $0x1  }
0x9: {  	s19 =	sld [smem:$0x3FFB];
	_ =	sdelay $0x3  }
0xa: {  	_ =	strace s19  }
0xb: {  	s3 =	sld [smem:$0x3FFC];
	_ =	sdelay $0x3  }
0xc: {  	_ =	strace s3  }
0xd: {  	s3 =	sld [smem:$0x3FFD];
	_ =	sdelay $0x3  }
0xe: {  	_ =	strace s3  }
0xf: {  	_ =	strace $0x8FFFFFFF  }
0x10: {  	s20 =	sld [smem:$0x3FDB];
	_ =	sdelay $0x1  }
0x11: {  	s4 =	simm.s32 $_scs_section_size  }
0x12: {  	s5 =	simm.s32 $_size__tile_overlayer_lowered;
	s6 =	simm.s32 $_tile_overlayer_lowered  }
0x13: {  	s23 =	simm.s32 $0x1BFF;
	s22 =	sshll.u32 s6, $0x1;
	s3 =	sadd.s32 s4, s20  }
0x14: {  	s7 =	simm.s32 $0x0;
	s21 =	sshll.u32 s5, $0x1;
	s5 =	sadd.s32 s22, s3  }
0x15: {  	[timem:s7], [sflag:s23] =	dma.local [hbm:s5], s21  }
0x16: {  	_ =	swait.ge [sflag:s23], s21  }
0x17: {  	s4 =	ssub.s32 $0x0, s21;
	[sflag:s23] =	ssyncset.done $0x0  }
0x18: {  	[sflag:s23] =	ssyncadd.s32 s4;
	_ =	sdelay $0x1  }
0x19: {  	s24 =	simm.s32 $0x1B8B  }
0x1a: {  	_ =	swait.ge [sflag:s24], $0x1  }
0x1b: {  	[sflag:s24] =	ssyncset.done $0x0  }
0x1c: {  	s26 =	simm.s32 $0x1B8E;
	s25 =	sld [smem:$0x3FFE];
	[sflag:s24] =	ssyncadd.s32 $0xFFFFFFFF  }
0x1d: {  	s27 =	simm.s32 $execute0_lowered;
	[smem:$0x3FD2] =	sst s26  }
0x1e: {  	s5 =	sshll.u32 s27, $0x1;
	_ =	strace $0x80000049;
	[dreg:$0x1] =	wrdreg $0xFFFFFFFF  }
0x1f: {  	s28 =	simm.s32 $_size_execute0_lowered;
	s3 =	sadd.s32 s3, s5;
	[dreg:$0x0] =	wrdreg $0x0  }
0x20: {  	s5 =	sshll.u32 s28, $0x1;
	[dreg:$0x2] =	wrdreg s3  }
0x21: {  	[dreg:$0x3] =	wrdreg s5  }
0x22: {  	[dreg:$0x4] =	wrdreg $0xC0  }
0x23: {  	_ =	task [dreg:s7], $0x5FFFF  }
0x24: {  	[dreg:$0x1] =	wrdreg $0xFFFFFFFF  }
0x25: {  	[dreg:$0x0] =	wrdreg $0x60  }
0x26: {  	[dreg:$0x2] =	wrdreg s25  }
0x27: {  	[dreg:$0x3] =	wrdreg s2  }
0x28: {  	[dreg:$0x4] =	wrdreg $0x9  }
0x29: {  	_ =	task.clear_ibuf [dreg:s7], $0x5FFFF;
	_ =	strace $0x90000049  }
0x2a: {  	s29 =	simm.s32 $0x9;
	_ =	strace $0x8000004B  }
0x2b: {  	_ =	swait.ge [sflag:s29], $0x1  }
0x2c: {  	[sflag:s29] =	ssyncadd.s32 $0xFFFFFFFF  }
0x2d: {  	_ =	strace $0x9000004B  }
0x2e: {  	_ =	sfence  }
0x2f: {  	s30 =	sld [smem:$0x0];
	_ =	sdelay $0x2  }
0x30: {  	s31 =	sshll.u32 s1, $0xD;
	s1 =	sshrl.u32 s1, $0x2  }
0x31: {  	s3 =	sand.u32 $0x4000, s31;
	s1 =	sadd.s32 s1, s30  }
0x32: {  	s0 =	sor.u32 s3, s0;
	s1 =	sshll.u32 s1, $0x11  }
0x33: {  	s0 =	sor.u32 s1, s0  }
0x34: {  	s0 =	sadd.s32 $0x8F2B, s0  }
0x35: {  	[sflag:s0] =	ssyncadd.remote.s32 $0x1  }
0x36: {  	_ =	sfence.sel $0xFFFF  }
0x37: {  	[dreg:$0x0] =	wrdreg $0xFFFFFFFF;
	(pc) =	sbr.abs _section_cstart, $3  }
0x38: {  	[dreg:$0x1] =	wrdreg $0xFFFFFFFF  }
0x39: {  	_ =	task.clear_ibuf [dreg:s7], $0x2FFFF;
	_ =	strace $0x9FFFFFFF  }
0x3a: {  	(tm) =	ssettm $0x7FFFFFFF  }
0x3b: {  	_ =	shalt  }
tec
execute0_lowered:
.L_overlay_start_1:
0x0: {  	(tag) =	ssettag $0x1  }
0x1: {  	s0 =	srdreg.scid  }
0x2: {  	s1 =	sshll.u32 s0, $0x4  }
0x3: {  	s0 =	stileid.u32;
	s1 =	sand.u32 $0x10, s1  }
0x4: {  	s1 =	sor.u32 s0, s1  }
0x5: {  	s6 =	rddreg [dreg:$0x0];
	s4 =	simm.s32 $0x1;
	s2 =	sshll.u32 s1, $0x7  }
0x6: {  	s7 =	simm.s32 $0x2;
	s12 =	simm.s32 $0x0;
	s1 =	ssub.s32 $0x4000, s2  }
0x7: {  	s8 =	simm.s32 $0x20000;
	s13 =	simm.s32 $0x0;
	s3 =	sand.u32 $0xF80, s1  }
0x8: {  	s9 =	simm.s32 $0x0;
	s5 =	sshrl.u32 s1, $0xC;
	p0 =	sne.s32 s3, $0x0  }
.Ltmp0:
0x9: {  	s1 =	rddreg [dreg:$0x2];
	s4 =	simm.s32 @!p0 $0x0;
	(pc) =	sbr.rel .LBB1_1-.Ltmp0, $4  }
0xa: {  	s11 =	simm.s32 $0x0;
	s3 =	rddreg [dreg:$0x1];
	s5 =	sadd.s32 s4, s5  }
0xb: {  	_ =	strace $0x8000004A;
	s4 =	simm.s32 $0x1;
	s5 =	smul.u32 $0x32, s5  }
0xc: {  	s6 =	sadd.s32 $0xA00, s6;
	s10 =	smov.u32 s2;
	[sflag:s4] =	ssyncpa.u1 $0x0  }
0xd: {  	p0 =	por $0x0, $0x0;
	[sflag:s7] =	ssyncpa.u1 $0x0;
	s7 =	sor.u32 $0x1, s5  }
.LBB1_4:
0xe: {  	s16 =	sshll.u32 s13, $0x3;
	s17 =	sand.u32 $0x78, s13  }
0xf: {  	s30 =	sand.u32 $0x1F800, s13;
	s12 =	sshll.u32 s12, $0x11;
	s16 =	sand.u32 $0x3C00, s16  }
0x10: {  	[tilespmem:s15+$0x810 ss:$0x81] =	vst.msk $0xffff, v2;
	s31 =	sand.u32 $0x7, s13;
	s16 =	sor.u32 s17, s16;
	s17 =	sadd.s32 s3, s30  }
0x11: {  	[tilespmem:s15+$0x1020 ss:$0x81] =	vst.msk $0xffff, v0;
	s13 =	sshll.u32 s31, $0x12;
	s12 =	sadd.s32 s12, s17;
	s16 =	sshrl.u32 s16, $0x3  }
0x12: {  	[tilespmem:s15+$0x0 ss:$0x81] =	vst.msk $0xffff, v1;
	s13 =	sor.u32 $0x400, s13;
	s12 =	sadd.s32 s16, s12  }
0x13: {  	[hbm4b:s12+s13] =	stream.strided.scatter [tilespmem:s14], [sflag:$0x2], $0x2000, s8, s13, $0x20;
	[tilespmem:$0x8080] =	vst v63  }
.LBB1_5:
0x14: {  	s14 =	sadd.s32 $0x1, s9  }
0x15: {  	s12 =	sadd.s32 $0x1000, s10;
	s16 =	smov.u32 s10;
	p2 =	sgt.s32 s14, $0x31  }
0x16: {  	s16 =	smov.u32 @p2 s12  }
0x17: {  	s14 =	simm.s32 @p2 $0x0;
	p2 =	sgt.s32 s16, $0x3FFF  }
0x18: {  	s16 =	smov.u32 @p2 s2;
	p2 =	sne.s32 s11, s7  }
.Ltmp1:
0x19: {  	p1 =	slt.u32 s11, $0x2;
	(pc) =	sbr.rel @!p2 .LBB1_6-.Ltmp1, $4  }
0x1a: {  	s15 =	simm.s32 @!p1 $0x2  }
0x1b: {  	s13 =	smov.u32 s10;
	p0 =	por !p0, !p0;
	_ =	swait.ge @!p1 [sflag:s15], $0x2000  }
0x1c: {  	s12 =	smov.u32 s9;
	[sflag:s15] =	ssyncset.done @!p1 $0x0;
	s9 =	smov.u32 s14  }
0x1d: {  	s11 =	sadd.s32 $0x1, s11;
	[sflag:s15] =	ssyncadd.s32 @!p1 $0xFFFFE000;
	s10 =	smov.u32 s16  }
.LBB1_1:
0x1e: {  	p1 =	sge.u32 s11, s5  }
0x1f: {  	s14 =	sand.u32 @!p1 $0x1FFFFFF, s9  }
0x20: {  	s15 =	smulhi.u32 @!p1 $0x4924925, s14;
	_ =	sdelay $0x1  }
0x21: {  	s15 =	smul.u32 @!p1 $0x38, s15  }
0x22: {  	s16 =	sxor.u32 @!p1 $0xFFFFFFFF, s11;
	s17 =	smul.u32 @!p1 $0x380, s10  }
0x23: {  	s31 =	sadd.s32 $0xFFFFFFFF, s11;
	s16 =	sshll.u32 @!p1 s16, $0xD;
	s14 =	ssub.s32 @!p1 s14, s15  }
0x24: {  	s15 =	sand.u32 @!p1 $0x2000, s16;
	s16 =	sadd.s32 @!p1 s6, s17;
	s14 =	sshll.u32 @!p1 s14, $0x4  }
0x25: {  	s17 =	simm.s32 @!p1 $0x1C00;
	s14 =	sadd.s32 @!p1 s14, s16;
	s16 =	simm.s32 @!p1 $0x40  }
0x26: {  	[tilespmem:s15], [sflag:$0x1] =	stream.strided.gather @!p1 [hbm4b:s14+s16], $0x2000, s17, s16, $0x38;
	[tilespmem:$0x8080] =	vst v63  }
0x27: {  	p1 =	sge.u32 s31, s5  }
.Ltmp2:
0x28: {  	_ = 	snop;
	(pc) =	sbr.rel @p1 .LBB1_5-.Ltmp2, $1  }
0x29: {  	_ =	sdelay $0x3  }
0x2a: {  	s14 =	simm.s32 $0x1  }
0x2b: {  	_ =	swait.ge [sflag:s4], $0x2000;
	s14 =	simm.s32 @!p0 $0x0  }
0x2c: {  	[sflag:s4] =	ssyncset.done $0x0;
	s15 =	sshll.u32 s14, $0xD  }
0x2d: {  	[sflag:s4] =	ssyncadd.s32 $0xFFFFE000;
	s18 =	sor.u32 $0x20, s15  }
0x2e: {  	s14 =	smul.u32 $0x8100, s14;
	v3 =	vld [tilespmem:s18+$0x10]  }
0x2f: {  	s30 =	sand.u32 $0x1, s11;
	v2 =	vld [tilespmem:s18+$0xFFFFFFF0]  }
0x30: {  	s15 =	smul.u32 $0x8100, s30;
	s14 =	sshrl.u32 s14, $0x2;
	v0 =	vld [tilespmem:s18+$0x0]  }
0x31: {  	v1 =	vld [tilespmem:s18+$0xFFFFFFE0];
	s16 =	sor.u32 $0x4000, s14  }
0x32: {  	s31 =	sshrl.u32 s15, $0x2;
	s15 =	sadd.s32 $0x0, s16  }
0x33: {  	s17 =	simm.s32 $0x4;
	s18 =	sadd.s32 $0x40, s18;
	s14 =	sor.u32 $0x4000, s31;
	[tilespmem:s15+$0x1830 ss:$0x81] =	vst.msk $0xffff, v3  }
.LBB1_3:
0x34: {  	v3 =	vld [tilespmem:s18+$0x10];
	p1 =	sne.s32 s17, $0x1FC;
	[tilespmem:s15+$0x810 ss:$0x81] =	vst.msk $0xffff, v2;
	s19 =	smov.u32 s17;
	s17 =	sadd.s32 $0x4, s17  }
.Ltmp3:
0x35: {  	v2 =	vld [tilespmem:s18+$0xFFFFFFF0];
	[tilespmem:s15+$0x1020 ss:$0x81] =	vst.msk $0xffff, v0;
	(pc) =	sbr.rel @p1 .LBB1_3-.Ltmp3, $4  }
0x36: {  	v0 =	vld [tilespmem:s18+$0x0];
	[tilespmem:s15+$0x0 ss:$0x81] =	vst.msk $0xffff, v1  }
0x37: {  	s15 =	sshra.s32 s19, $0x2;
	v1 =	vld [tilespmem:s18+$0xFFFFFFE0]  }
0x38: {  	s15 =	sadd.s32 s15, s16  }
0x39: {  	s18 =	sadd.s32 $0x40, s18;
	[tilespmem:s15+$0x1830 ss:$0x81] =	vst.msk $0xffff, v3  }
.Ltmp4:
0x3a: {  	_ = 	snop;
	(pc) =	sbr.rel .LBB1_4-.Ltmp4, $1  }
0x3b: {  	_ =	sdelay $0x3  }
.LBB1_6:
0x3c: {  	_ =	sfence.sel $0x180000  }
0x3d: {  	s2 =	simm.s32 $0x1;
	[bflag:$0x0] =	sbarrier.arrive $0xFFFF  }
0x3e: {  	s31 =	simm.s32 $0x2;
	[sflag:s2] =	ssyncpa.u1 $0x1  }
0x3f: {  	[sflag:s31] =	ssyncpa.u1 $0x1  }
0x40: {  	p0 =	sne.s32 s0, $0x0;
	_ =	strace $0x9000004A  }
0x41: {  	s0 =	sadd.s32 @!p0 $0x100000, s1;
	[bflag:$0x2] =	sbarrier.arrive $0xFFFF  }
0x42: {  	[sflag:s0] =	ssyncadd.tile.s32 @!p0 $0x1;
	_ =	shalt  }
.Lfunc_end1:
_tile_overlayer_lowered:
.L_overlay_start_2:
0x43: {  	(tag) =	ssettag $0x2  }
0x44: {  	s0 =	rddreg [dreg:$0x0];
	s2 =	stileid.u32  }
0x45: {  	s1 =	rddreg [dreg:$0x1];
	p0 =	sne.s32 s2, $0x0  }
0x46: {  	s3 =	rddreg [dreg:$0x2];
	[bflag:$0x3] =	sbarrier.arrive $0xFFFF;
	s2 =	simm.s32 @!p0 $0x1C01  }
0x47: {  	[timem:s3], [sflag:s2] =	dma.local @!p0 [hbm:s0], s1  }
0x48: {  	s0 =	simm.s32 @!p0 $0x1  }
0x49: {  	_ =	swait.ge @!p0 [sflag:s0], s1  }
0x4a: {  	s1 =	ssub.s32 @!p0 $0x0, s1;
	[sflag:s0] =	ssyncset.done @!p0 $0x0  }
0x4b: {  	[sflag:s0] =	ssyncadd.s32 @!p0 s1  }
0x4c: {  	[bflag:$0x3] =	sbarrier.arrive $0xFFFF  }
0x4d: {  	_ =	shalt  }

</sc_bundles>
